<compile_context>
chip_gen: v7x
topology: tpu7x:2x2x1
jax: 0.10.2.dev20260603
libtpu: 0.0.44.dev20260713+nightly
codegen_flags: <defaults>
</compile_context>

<pallas_src>
import functools

import jax
import jax.numpy as jnp
from jax import lax
from jax.experimental import pallas as pl
from jax.experimental.pallas import tpu as pltpu
from jax.experimental.pallas import tpu_sc as plsc

_N = 8192
_H = 32
_L = 3
_CUTOFF = 0.05
_BR = 256
_NW = 32
_RSC = 1280
_RPW = _RSC // _NW


_BIG = 1e19


def _colsum_body(cb_ref, d_ref, out_ref, q_ref):
    g = pl.program_id(0)

    @pl.when(g == 0)
    def _init():
        out_ref[...] = jnp.zeros_like(out_ref)

    d = d_ref[...]
    q_ref[...] = jnp.where(d < _CUTOFF, 1.0 / d, _BIG)
    q = q_ref[...]
    ones = jnp.ones((1, _BR), jnp.bfloat16)
    for l in range(_L):
        s = q - cb_ref[0, l]
        w = jax.lax.exp2(((s * s) * cb_ref[1, l]).astype(jnp.bfloat16))
        out_ref[l : l + 1, :] += jnp.dot(
            ones, w, preferred_element_type=jnp.float32
        )

    dd = d_ref[:, pl.ds(g * _BR, _BR)]
    rl = jax.lax.broadcasted_iota(jnp.int32, (_BR, _BR), 0)
    cl = jax.lax.broadcasted_iota(jnp.int32, (_BR, _BR), 1)
    qd = jnp.where((rl == cl) & (dd < _CUTOFF), 1.0 / dd, _BIG)
    for l in range(_L):
        s = qd - cb_ref[0, l]
        w = jax.lax.exp2((s * s) * cb_ref[1, l])
        out_ref[l : l + 1, pl.ds(g * _BR, _BR)] -= jnp.sum(
            w, axis=0, keepdims=True
        )


def _sc_colsum_body(d_hbm, cb_hbm, out_hbm, cb_v, row_v, acc_v):
    wid = lax.axis_index("s") * 2 + lax.axis_index("c")
    pltpu.sync_copy(cb_hbm, cb_v)

    zeros16 = jnp.zeros((16,), jnp.float32)

    def zero_body(j, carry):
        for l in range(_L):
            acc_v[l, pl.ds(j * 16, 16)] = zeros16
        return carry

    lax.fori_loop(0, _N // 16, zero_body, 0)

    cv = [cb_v[0, l, :] for l in range(_L)]
    bv = [cb_v[1, l, :] for l in range(_L)]
    row0 = _N - _RSC + wid * _RPW

    def row_body(r, carry):
        i = row0 + r
        pltpu.sync_copy(d_hbm.at[i], row_v)

        @plsc.parallel_loop(0, _N // 16, step=1, unroll=8)
        def vec_body(j):
            sl = pl.ds(j * 16, 16)
            dv = row_v[sl]
            q = jnp.where(dv < _CUTOFF, 1.0 / dv, _BIG)
            for l in range(_L):
                t = q - cv[l]
                plsc.addupdate(acc_v.at[l, sl], jnp.exp((t * t) * bv[l]))

        vbase = (i // 16) * 16
        sl = pl.ds(vbase, 16)
        dvec = row_v[sl]
        lanes = lax.iota(jnp.int32, 16)
        m = (lanes == (i % 16)) & (dvec < _CUTOFF)
        qd = jnp.where(m, 1.0 / dvec, _BIG)
        for l in range(_L):
            t = qd - cv[l]
            plsc.addupdate(acc_v.at[l, sl], -jnp.exp((t * t) * bv[l]))
        return carry

    lax.fori_loop(0, _RPW, row_body, 0)
    pltpu.sync_copy(acc_v, out_hbm.at[wid])


def _head_body(z_ref, won_ref, bon_ref, wint_ref, bint_ref, cs_ref, scp_ref,
               wa_ref, bn_ref, ppp_ref, out_ppp_ref, out_reg_ref):
    z = z_ref[...]
    cs_all = cs_ref[...] + jnp.sum(scp_ref[...], axis=0)
    zcs = jnp.zeros((1, _H), jnp.float32)
    for l in range(_L):
        x = jnp.dot(z, won_ref[l], preferred_element_type=jnp.float32)
        x = x + bon_ref[l : l + 1, :]
        zos = jnp.maximum(x, 0.0) + jnp.log1p(jnp.exp(-jnp.abs(x)))
        s_on = jnp.sum(zos, axis=0, keepdims=True)
        cs = cs_all[l : l + 1, :]
        v = jnp.dot(cs, zos, preferred_element_type=jnp.float32)
        inter = jnp.dot(v, wint_ref[l], preferred_element_type=jnp.float32)
        inter = inter + jnp.sum(cs) * bint_ref[l : l + 1, :]
        zcs = zcs + wa_ref[l : l + 1, :] * (s_on + inter) + bn_ref[0, l]
    out_ppp_ref[...] = ppp_ref[...] + 0.01 * zcs
    out_reg_ref[...] = 0.01 * jnp.sqrt(jnp.sum(zcs * zcs)).reshape(1, 1)


def kernel(geom_array, dist_matrix, ppp_params, W_on, B_on, W_int, B_int,
           mu, sigma, W_a, B_n):
    n = dist_matrix.shape[0]
    log2e = 1.4426950408889634
    cb = jnp.stack(
        [1.0 / mu, -log2e / (2.0 * sigma * sigma)]
    ).astype(jnp.float32)

    colsums = pl.pallas_call(
        _colsum_body,
        grid=((n - _RSC) // _BR,),
        in_specs=[
            pl.BlockSpec(memory_space=pltpu.SMEM),
            pl.BlockSpec((_BR, n), lambda g: (g, 0)),
        ],
        out_specs=pl.BlockSpec((_L, n), lambda g: (0, 0)),
        out_shape=jax.ShapeDtypeStruct((_L, n), jnp.float32),
        scratch_shapes=[pltpu.VMEM((_BR, n), jnp.float32)],
    )(cb, dist_matrix)

    cb_nat = jnp.stack([1.0 / mu, -1.0 / (2.0 * sigma * sigma)])
    cb_sc = jnp.broadcast_to(
        cb_nat.astype(jnp.float32)[:, :, None], (2, _L, 16)
    )
    mesh = plsc.VectorSubcoreMesh(core_axis_name="c", subcore_axis_name="s")
    sc_parts = pl.kernel(
        _sc_colsum_body,
        out_type=jax.ShapeDtypeStruct((_NW, _L, n), jnp.float32),
        mesh=mesh,
        scratch_types=[
            pltpu.VMEM((2, _L, 16), jnp.float32),
            pltpu.VMEM((n,), jnp.float32),
            pltpu.VMEM((_L, n), jnp.float32),
        ],
    )(dist_matrix, cb_sc)

    out_ppp, out_reg = pl.pallas_call(
        _head_body,
        in_specs=[
            pl.BlockSpec(memory_space=pltpu.VMEM),
            pl.BlockSpec(memory_space=pltpu.VMEM),
            pl.BlockSpec(memory_space=pltpu.VMEM),
            pl.BlockSpec(memory_space=pltpu.VMEM),
            pl.BlockSpec(memory_space=pltpu.VMEM),
            pl.BlockSpec(memory_space=pltpu.VMEM),
            pl.BlockSpec(memory_space=pltpu.VMEM),
            pl.BlockSpec(memory_space=pltpu.VMEM),
            pl.BlockSpec(memory_space=pltpu.SMEM),
            pl.BlockSpec(memory_space=pltpu.VMEM),
        ],
        out_specs=[
            pl.BlockSpec(memory_space=pltpu.VMEM),
            pl.BlockSpec(memory_space=pltpu.VMEM),
        ],
        out_shape=[
            jax.ShapeDtypeStruct((1, _H), jnp.float32),
            jax.ShapeDtypeStruct((1, 1), jnp.float32),
        ],
    )(geom_array, W_on, B_on, W_int, B_int, colsums, sc_parts, W_a,
      B_n.reshape(1, _L), ppp_params.reshape(1, _H))

    return out_ppp.reshape(_H), out_reg.reshape(())

# --- scband reference (transcript-rebuilt; emitter-appended) ---
"""Pipeline reference for scband-dynamic-network-24017457119877 (READ-ONLY COPY).

The authoritative reference and input builder live on the scoring server;
editing this copy changes nothing except your own understanding.
"""

import jax, jax.numpy as jnp
import numpy as np

N = 8192
AF = 64
H = 32
L = 3
CUTOFF = 0.05


def setup_inputs(seed: int = 0) -> dict:
    key = jax.random.key(seed)
    ks = jax.random.split(key, 10)
    geom_array = jax.random.normal(ks[0], (N, AF), dtype=jnp.float32)
    dist_matrix = jax.random.uniform(ks[1], (N, N), dtype=jnp.float32)
    # learned parameters, sized per init_kwargs
    ppp_params = jnp.full((H,), 0.1, dtype=jnp.float32)
    W_on = jax.random.normal(ks[2], (L, AF, H), dtype=jnp.float32)
    B_on = jnp.zeros((L, H), dtype=jnp.float32)
    W_int = jax.random.normal(ks[3], (L, H, H), dtype=jnp.float32)
    B_int = jnp.zeros((L, H), dtype=jnp.float32)
    mu = jax.random.normal(ks[4], (L,), dtype=jnp.float32)
    sigma = jax.random.normal(ks[5], (L,), dtype=jnp.float32)
    W_a = jax.random.normal(ks[6], (L, H), dtype=jnp.float32)
    B_n = jax.random.normal(ks[7], (L,), dtype=jnp.float32)
    return {
        "geom_array": geom_array,
        "dist_matrix": dist_matrix,
        "ppp_params": ppp_params,
        "W_on": W_on,
        "B_on": B_on,
        "W_int": W_int,
        "B_int": B_int,
        "mu": mu,
        "sigma": sigma,
        "W_a": W_a,
        "B_n": B_n,
    }


def reference(geom_array, dist_matrix, ppp_params, W_on, B_on, W_int, B_int, mu, sigma, W_a, B_n):
    n = dist_matrix.shape[0]
    z = geom_array
    z_combined_sum = jnp.zeros_like(ppp_params)
    eye = jnp.eye(n, dtype=bool)
    mask = (dist_matrix < CUTOFF) & (~eye)
    # avoid inf/nan from 1/r on excluded (diagonal / out-of-cutoff) entries
    safe_dist = jnp.where(mask, dist_matrix, 1.0)
    for l in range(L):
        # OnSiteLayer: softplus(z @ W + B). Note z is the raw geom_array each layer,
        # matching the original forward which never reassigns z.
        z_on_site = jax.nn.softplus(z @ W_on[l] + B_on[l])
        # InteractionLayer (vectorized form of the double loop):
        # z_inter[i] = sum_{j != i, d_ij < cutoff} sens(d_ij) * (z_on_site[j] @ W + B)
        sens = jnp.exp(-((1.0 / safe_dist - 1.0 / mu[l]) ** 2) / (2.0 * sigma[l] ** 2))
        w = jnp.where(mask, sens, 0.0)
        msg = z_on_site @ W_int[l] + B_int[l]
        z_interaction = w @ msg
        z_combined = z_on_site + z_interaction
        correction_l = jnp.sum(W_a[l] * z_combined, axis=0) + B_n[l]
        z_combined_sum = z_combined_sum + correction_l
    corrected_ppp = ppp_params + z_combined_sum * 0.01
    reg_loss = 0.01 * jnp.linalg.norm(z_combined_sum)
    return (corrected_ppp, reg_loss)

if __name__ == "__main__":
    import jax
    _d = setup_inputs()
    print(jax.jit(kernel)(*tuple(_d.values())))

</pallas_src>

<mosaic_0001>
#map = affine_map<(d0, d1) -> (0, 0)>
#map1 = affine_map<(d0, d1) -> (0, 0, 0)>
module attributes {stable_mosaic.version = 14 : i64} {
  func.func @_sc_colsum_body(%arg0: i32, %arg1: i32, %arg2: memref<8192x8192xf32, #tpu.memory_space<hbm>>, %arg3: memref<2x3x16xf32, #tpu.memory_space<hbm>>, %arg4: memref<32x3x8192xf32, #tpu.memory_space<hbm>>, %arg5: memref<2x3x16xf32, #tpu.memory_space<vmem>>, %arg6: memref<8192xf32, #tpu.memory_space<vmem>>, %arg7: memref<3x8192xf32, #tpu.memory_space<vmem>>) attributes {dimension_semantics = [#tpu.dimension_semantics<core_parallel>, #tpu.dimension_semantics<subcore_parallel>], iteration_bounds = array<i64: 2, 16>, scalar_prefetch = 0 : i64, scratch_operands = 3 : i64, tpu.core_type = #tpu.core_type<sc_vector_subcore>, window_params = [{transform_indices = #map}, {transform_indices = #map1}, {transform_indices = #map1}]} {
    %mul3A = arith.constant 2 : i32
    %mul3A_0 = arith.muli %arg1, %mul3A : i32
    %add3A = arith.addi %mul3A_0, %arg0 : i32
    "tpu.region"() ({
      %run_scoped3A = tpu.sem_alloc : memref<!tpu.dma_semaphore, #tpu.memory_space<semaphore_mem>>
      tpu.enqueue_dma source(%arg3 : memref<2x3x16xf32, #tpu.memory_space<hbm>>) target(%arg5 : memref<2x3x16xf32, #tpu.memory_space<vmem>>) target_semaphore(%run_scoped3A : memref<!tpu.dma_semaphore, #tpu.memory_space<semaphore_mem>>)
      tpu.wait_dma2 semaphore(%run_scoped3A : memref<!tpu.dma_semaphore, #tpu.memory_space<semaphore_mem>>) src(%arg3 : memref<2x3x16xf32, #tpu.memory_space<hbm>>) dst(%arg5 : memref<2x3x16xf32, #tpu.memory_space<vmem>>)
      tpu.yield
    }) : () -> ()
    %broadcast_in_dim3A = arith.constant 0.000000e+00 : f32
    %broadcast_in_dim3A_1 = vector.broadcast %broadcast_in_dim3A : f32 to vector<16xf32>
    %scan3A = arith.constant 0 : i32
    %scan3A_2 = arith.constant 0 : i32
    %scan3A_3 = arith.constant 512 : i32
    %scan3A_4 = arith.addi %scan3A_2, %scan3A_3 : i32
    %scan3A_5 = arith.constant 1 : i32
    scf.for %scan3A_58 = %scan3A_2 to %scan3A_4 step %scan3A_5  : i32 {
      %mul3A_59 = arith.constant 16 : i32
      %mul3A_60 = arith.muli %scan3A_58, %mul3A_59 : i32
      %swap3A = arith.constant 0 : i32
      %swap3A_61 = arith.index_cast %swap3A : i32 to index
      %swap3A_62 = arith.index_cast %mul3A_60 : i32 to index
      %swap3A_63 = tpu.vector_load %arg7[%swap3A_61, %swap3A_62] {strides = array<i32>} : memref<3x8192xf32, #tpu.memory_space<vmem>>, vector<1x16xf32>,
      %swap3A_64 = vector.shape_cast %swap3A_63 : vector<1x16xf32> to vector<16xf32>
      %swap3A_65 = vector.shape_cast %broadcast_in_dim3A_1 : vector<16xf32> to vector<1x16xf32>
      tpu.vector_store %arg7[%swap3A_61, %swap3A_62], %swap3A_65 {strides = array<i32>} : memref<3x8192xf32, #tpu.memory_space<vmem>>, vector<1x16xf32>,
      %mul3A_66 = arith.constant 16 : i32
      %mul3A_67 = arith.muli %scan3A_58, %mul3A_66 : i32
      %swap3A_68 = arith.constant 1 : i32
      %swap3A_69 = arith.index_cast %swap3A_68 : i32 to index
      %swap3A_70 = arith.index_cast %mul3A_67 : i32 to index
      %swap3A_71 = tpu.vector_load %arg7[%swap3A_69, %swap3A_70] {strides = array<i32>} : memref<3x8192xf32, #tpu.memory_space<vmem>>, vector<1x16xf32>,
      %swap3A_72 = vector.shape_cast %swap3A_71 : vector<1x16xf32> to vector<16xf32>
      %swap3A_73 = vector.shape_cast %broadcast_in_dim3A_1 : vector<16xf32> to vector<1x16xf32>
      tpu.vector_store %arg7[%swap3A_69, %swap3A_70], %swap3A_73 {strides = array<i32>} : memref<3x8192xf32, #tpu.memory_space<vmem>>, vector<1x16xf32>,
      %mul3A_74 = arith.constant 16 : i32
      %mul3A_75 = arith.muli %scan3A_58, %mul3A_74 : i32
      %swap3A_76 = arith.constant 2 : i32
      %swap3A_77 = arith.index_cast %swap3A_76 : i32 to index
      %swap3A_78 = arith.index_cast %mul3A_75 : i32 to index
      %swap3A_79 = tpu.vector_load %arg7[%swap3A_77, %swap3A_78] {strides = array<i32>} : memref<3x8192xf32, #tpu.memory_space<vmem>>, vector<1x16xf32>,
      %swap3A_80 = vector.shape_cast %swap3A_79 : vector<1x16xf32> to vector<16xf32>
      %swap3A_81 = vector.shape_cast %broadcast_in_dim3A_1 : vector<16xf32> to vector<1x16xf32>
      tpu.vector_store %arg7[%swap3A_77, %swap3A_78], %swap3A_81 {strides = array<i32>} : memref<3x8192xf32, #tpu.memory_space<vmem>>, vector<1x16xf32>,
    }
    %scan3A_6 = arith.constant 512 : i32
    %get3A = arith.constant 0 : i32
    %get3A_7 = arith.constant 0 : i32
    %get3A_8 = arith.index_cast %get3A : i32 to index
    %get3A_9 = arith.index_cast %get3A_7 : i32 to index
    %get3A_10 = arith.constant 0 : index
    %get3A_11 = tpu.vector_load %arg5[%get3A_8, %get3A_9, %get3A_10] {strides = array<i32>} : memref<2x3x16xf32, #tpu.memory_space<vmem>>, vector<1x1x16xf32>,
    %get3A_12 = vector.shape_cast %get3A_11 : vector<1x1x16xf32> to vector<16xf32>
    %get3A_13 = arith.constant 0 : i32
    %get3A_14 = arith.constant 1 : i32
    %get3A_15 = arith.index_cast %get3A_13 : i32 to index
    %get3A_16 = arith.index_cast %get3A_14 : i32 to index
    %get3A_17 = arith.constant 0 : index
    %get3A_18 = tpu.vector_load %arg5[%get3A_15, %get3A_16, %get3A_17] {strides = array<i32>} : memref<2x3x16xf32, #tpu.memory_space<vmem>>, vector<1x1x16xf32>,
    %get3A_19 = vector.shape_cast %get3A_18 : vector<1x1x16xf32> to vector<16xf32>
    %get3A_20 = arith.constant 0 : i32
    %get3A_21 = arith.constant 2 : i32
    %get3A_22 = arith.index_cast %get3A_20 : i32 to index
    %get3A_23 = arith.index_cast %get3A_21 : i32 to index
    %get3A_24 = arith.constant 0 : index
    %get3A_25 = tpu.vector_load %arg5[%get3A_22, %get3A_23, %get3A_24] {strides = array<i32>} : memref<2x3x16xf32, #tpu.memory_space<vmem>>, vector<1x1x16xf32>,
    %get3A_26 = vector.shape_cast %get3A_25 : vector<1x1x16xf32> to vector<16xf32>
    %get3A_27 = arith.constant 1 : i32
    %get3A_28 = arith.constant 0 : i32
    %get3A_29 = arith.index_cast %get3A_27 : i32 to index
    %get3A_30 = arith.index_cast %get3A_28 : i32 to index
    %get3A_31 = arith.constant 0 : index
    %get3A_32 = tpu.vector_load %arg5[%get3A_29, %get3A_30, %get3A_31] {strides = array<i32>} : memref<2x3x16xf32, #tpu.memory_space<vmem>>, vector<1x1x16xf32>,
    %get3A_33 = vector.shape_cast %get3A_32 : vector<1x1x16xf32> to vector<16xf32>
    %get3A_34 = arith.constant 1 : i32
    %get3A_35 = arith.constant 1 : i32
    %get3A_36 = arith.index_cast %get3A_34 : i32 to index
    %get3A_37 = arith.index_cast %get3A_35 : i32 to index
    %get3A_38 = arith.constant 0 : index
    %get3A_39 = tpu.vector_load %arg5[%get3A_36, %get3A_37, %get3A_38] {strides = array<i32>} : memref<2x3x16xf32, #tpu.memory_space<vmem>>, vector<1x1x16xf32>,
    %get3A_40 = vector.shape_cast %get3A_39 : vector<1x1x16xf32> to vector<16xf32>
    %get3A_41 = arith.constant 1 : i32
    %get3A_42 = arith.constant 2 : i32
    %get3A_43 = arith.index_cast %get3A_41 : i32 to index
    %get3A_44 = arith.index_cast %get3A_42 : i32 to index
    %get3A_45 = arith.constant 0 : index
    %get3A_46 = tpu.vector_load %arg5[%get3A_43, %get3A_44, %get3A_45] {strides = array<i32>} : memref<2x3x16xf32, #tpu.memory_space<vmem>>, vector<1x1x16xf32>,
    %get3A_47 = vector.shape_cast %get3A_46 : vector<1x1x16xf32> to vector<16xf32>
    %mul3A_48 = arith.constant 40 : i32
    %mul3A_49 = arith.muli %add3A, %mul3A_48 : i32
    %add3A_50 = arith.constant 6912 : i32
    %add3A_51 = arith.addi %add3A_50, %mul3A_49 : i32
    %scan3A_52 = arith.constant 0 : i32
    %scan3A_53 = arith.constant 0 : i32
    %scan3A_54 = arith.constant 40 : i32
    %scan3A_55 = arith.addi %scan3A_53, %scan3A_54 : i32
    %scan3A_56 = arith.constant 1 : i32
    scf.for %scan3A_58 = %scan3A_53 to %scan3A_55 step %scan3A_56  : i32 {
      %add3A_59 = arith.addi %add3A_51, %scan3A_58 : i32
      "tpu.region"() ({
        %run_scoped3A = tpu.sem_alloc : memref<!tpu.dma_semaphore, #tpu.memory_space<semaphore_mem>>
        %dma_start3A = arith.constant 0 : i32
        %dma_start3A_145 = tpu.memref_slice %arg2[%add3A_59, %dma_start3A] : memref<8192x8192xf32, #tpu.memory_space<hbm>> -> memref<1x8192xf32, #tpu.memory_space<hbm>>
        %dma_start3A_146 = tpu.memref_squeeze %dma_start3A_145 : memref<1x8192xf32, #tpu.memory_space<hbm>> -> memref<8192xf32, #tpu.memory_space<hbm>>
        %dma_start3A_147 = arith.constant 0 : i32
        %dma_start3A_148 = tpu.memref_slice %arg2[%add3A_59, %dma_start3A_147] : memref<8192x8192xf32, #tpu.memory_space<hbm>> -> memref<1x8192xf32, #tpu.memory_space<hbm>>
        %dma_start3A_149 = tpu.memref_squeeze %dma_start3A_148 : memref<1x8192xf32, #tpu.memory_space<hbm>> -> memref<8192xf32, #tpu.memory_space<hbm>>
        tpu.enqueue_dma source(%dma_start3A_149 : memref<8192xf32, #tpu.memory_space<hbm>>) target(%arg6 : memref<8192xf32, #tpu.memory_space<vmem>>) target_semaphore(%run_scoped3A : memref<!tpu.dma_semaphore, #tpu.memory_space<semaphore_mem>>)
        %dma_wait3A = arith.constant 0 : i32
        %dma_wait3A_150 = tpu.memref_slice %arg2[%add3A_59, %dma_wait3A] : memref<8192x8192xf32, #tpu.memory_space<hbm>> -> memref<1x8192xf32, #tpu.memory_space<hbm>>
        %dma_wait3A_151 = tpu.memref_squeeze %dma_wait3A_150 : memref<1x8192xf32, #tpu.memory_space<hbm>> -> memref<8192xf32, #tpu.memory_space<hbm>>
        %dma_wait3A_152 = arith.constant 0 : i32
        %dma_wait3A_153 = tpu.memref_slice %arg2[%add3A_59, %dma_wait3A_152] : memref<8192x8192xf32, #tpu.memory_space<hbm>> -> memref<1x8192xf32, #tpu.memory_space<hbm>>
        %dma_wait3A_154 = tpu.memref_squeeze %dma_wait3A_153 : memref<1x8192xf32, #tpu.memory_space<hbm>> -> memref<8192xf32, #tpu.memory_space<hbm>>
        tpu.wait_dma2 semaphore(%run_scoped3A : memref<!tpu.dma_semaphore, #tpu.memory_space<semaphore_mem>>) src(%dma_wait3A_154 : memref<8192xf32, #tpu.memory_space<hbm>>) dst(%arg6 : memref<8192xf32, #tpu.memory_space<vmem>>)
        tpu.yield
      }) : () -> ()
      %parallel_loop3A = arith.constant 0 : i32
      %parallel_loop3A_60 = arith.constant 512 : i32
      %parallel_loop3A_61 = arith.constant 1 : i32
      scf.for %parallel_loop3A_145 = %parallel_loop3A to %parallel_loop3A_60 step %parallel_loop3A_61  : i32 {
        %parallel_loop3A_146 = arith.constant 16 : i32
        %parallel_loop3A_147 = arith.muli %parallel_loop3A_145, %parallel_loop3A_146 : i32
        %parallel_loop3A_148 = arith.index_cast %parallel_loop3A_147 : i32 to index
        %parallel_loop3A_149 = tpu.vector_load %arg6[%parallel_loop3A_148] {strides = array<i32>} : memref<8192xf32, #tpu.memory_space<vmem>>, vector<16xf32>,
        %parallel_loop3A_150 = vector.shape_cast %parallel_loop3A_149 : vector<16xf32> to vector<16xf32>
        %parallel_loop3A_151 = arith.constant 5.000000e-02 : f32
        %parallel_loop3A_152 = vector.broadcast %parallel_loop3A_151 : f32 to vector<16xf32>
        %parallel_loop3A_153 = arith.cmpf olt, %parallel_loop3A_150, %parallel_loop3A_152 : vector<16xf32>
        %parallel_loop3A_154 = arith.constant 1.000000e+00 : f32
        %parallel_loop3A_155 = vector.broadcast %parallel_loop3A_154 : f32 to vector<16xf32>
        %parallel_loop3A_156 = arith.divf %parallel_loop3A_155, %parallel_loop3A_150 : vector<16xf32>
        %parallel_loop3A_157 = arith.constant 9.99999998E+18 : f32
        %parallel_loop3A_158 = vector.broadcast %parallel_loop3A_157 : f32 to vector<16xf32>
        %parallel_loop3A_159 = arith.select %parallel_loop3A_153, %parallel_loop3A_156, %parallel_loop3A_158 : vector<16xi1>, vector<16xf32>
        %parallel_loop3A_160 = arith.subf %parallel_loop3A_159, %get3A_12 : vector<16xf32>
        %parallel_loop3A_161 = arith.mulf %parallel_loop3A_160, %parallel_loop3A_160 : vector<16xf32>
        %parallel_loop3A_162 = arith.mulf %parallel_loop3A_161, %get3A_33 : vector<16xf32>
        %parallel_loop3A_163 = math.exp %parallel_loop3A_162 : vector<16xf32>
        %parallel_loop3A_164 = arith.constant 0 : i32
        %parallel_loop3A_165 = arith.index_cast %parallel_loop3A_164 : i32 to index
        %parallel_loop3A_166 = arith.index_cast %parallel_loop3A_147 : i32 to index
        %parallel_loop3A_167 = tpu.vector_load %arg7[%parallel_loop3A_165, %parallel_loop3A_166] {strides = array<i32>} : memref<3x8192xf32, #tpu.memory_space<vmem>>, vector<1x16xf32>,
        %parallel_loop3A_168 = vector.shape_cast %parallel_loop3A_167 : vector<1x16xf32> to vector<16xf32>
        %parallel_loop3A_169 = vector.shape_cast %parallel_loop3A_163 : vector<16xf32> to vector<1x16xf32>
        tpu.vector_store %arg7[%parallel_loop3A_165, %parallel_loop3A_166], %parallel_loop3A_169 {add = true, strides = array<i32>} : memref<3x8192xf32, #tpu.memory_space<vmem>>, vector<1x16xf32>,
        %parallel_loop3A_170 = arith.subf %parallel_loop3A_159, %get3A_19 : vector<16xf32>
        %parallel_loop3A_171 = arith.mulf %parallel_loop3A_170, %parallel_loop3A_170 : vector<16xf32>
        %parallel_loop3A_172 = arith.mulf %parallel_loop3A_171, %get3A_40 : vector<16xf32>
        %parallel_loop3A_173 = math.exp %parallel_loop3A_172 : vector<16xf32>
        %parallel_loop3A_174 = arith.constant 1 : i32
        %parallel_loop3A_175 = arith.index_cast %parallel_loop3A_174 : i32 to index
        %parallel_loop3A_176 = arith.index_cast %parallel_loop3A_147 : i32 to index
        %parallel_loop3A_177 = tpu.vector_load %arg7[%parallel_loop3A_175, %parallel_loop3A_176] {strides = array<i32>} : memref<3x8192xf32, #tpu.memory_space<vmem>>, vector<1x16xf32>,
        %parallel_loop3A_178 = vector.shape_cast %parallel_loop3A_177 : vector<1x16xf32> to vector<16xf32>
        %parallel_loop3A_179 = vector.shape_cast %parallel_loop3A_173 : vector<16xf32> to vector<1x16xf32>
        tpu.vector_store %arg7[%parallel_loop3A_175, %parallel_loop3A_176], %parallel_loop3A_179 {add = true, strides = array<i32>} : memref<3x8192xf32, #tpu.memory_space<vmem>>, vector<1x16xf32>,
        %parallel_loop3A_180 = arith.subf %parallel_loop3A_159, %get3A_26 : vector<16xf32>
        %parallel_loop3A_181 = arith.mulf %parallel_loop3A_180, %parallel_loop3A_180 : vector<16xf32>
        %parallel_loop3A_182 = arith.mulf %parallel_loop3A_181, %get3A_47 : vector<16xf32>
        %parallel_loop3A_183 = math.exp %parallel_loop3A_182 : vector<16xf32>
        %parallel_loop3A_184 = arith.constant 2 : i32
        %parallel_loop3A_185 = arith.index_cast %parallel_loop3A_184 : i32 to index
        %parallel_loop3A_186 = arith.index_cast %parallel_loop3A_147 : i32 to index
        %parallel_loop3A_187 = tpu.vector_load %arg7[%parallel_loop3A_185, %parallel_loop3A_186] {strides = array<i32>} : memref<3x8192xf32, #tpu.memory_space<vmem>>, vector<1x16xf32>,
        %parallel_loop3A_188 = vector.shape_cast %parallel_loop3A_187 : vector<1x16xf32> to vector<16xf32>
        %parallel_loop3A_189 = vector.shape_cast %parallel_loop3A_183 : vector<16xf32> to vector<1x16xf32>
        tpu.vector_store %arg7[%parallel_loop3A_185, %parallel_loop3A_186], %parallel_loop3A_189 {add = true, strides = array<i32>} : memref<3x8192xf32, #tpu.memory_space<vmem>>, vector<1x16xf32>,
      } {sc.loop_unroll_factor = 8 : i64, sc.parallel_access}
      %jit3A = arith.constant 16 : i32
      %div3A = arith.divsi %add3A_59, %jit3A : i32
      %sign3A = arith.constant 0 : i32
      %sign3A_62 = arith.cmpi sgt, %add3A_59, %sign3A : i32
      %sign3A_63 = arith.extui %sign3A_62 : i1 to i32
      %sign3A_64 = arith.constant 0 : i32
      %sign3A_65 = arith.cmpi slt, %add3A_59, %sign3A_64 : i32
      %sign3A_66 = arith.extui %sign3A_65 : i1 to i32
      %sign3A_67 = arith.subi %sign3A_63, %sign3A_66 : i32
      %sign3A_68 = arith.constant 0 : i32
      %sign3A_69 = arith.cmpi sgt, %jit3A, %sign3A_68 : i32
      %sign3A_70 = arith.extui %sign3A_69 : i1 to i32
      %sign3A_71 = arith.constant 0 : i32
      %sign3A_72 = arith.cmpi slt, %jit3A, %sign3A_71 : i32
      %sign3A_73 = arith.extui %sign3A_72 : i1 to i32
      %sign3A_74 = arith.subi %sign3A_70, %sign3A_73 : i32
      %ne3A = arith.cmpi ne, %sign3A_67, %sign3A_74 : i32
      %rem3A = arith.remsi %add3A_59, %jit3A : i32
      %ne3A_75 = arith.constant 0 : i32
      %ne3A_76 = arith.cmpi ne, %rem3A, %ne3A_75 : i32
      %and3A = arith.andi %ne3A, %ne3A_76 : i1
      %sub3A = arith.constant 1 : i32
      %sub3A_77 = arith.subi %div3A, %sub3A : i32
      %select_n3A = arith.select %and3A, %sub3A_77, %div3A : i32
      %mul3A_78 = arith.constant 16 : i32
      %mul3A_79 = arith.muli %select_n3A, %mul3A_78 : i32
      %get3A_80 = arith.index_cast %mul3A_79 : i32 to index
      %get3A_81 = tpu.vector_load %arg6[%get3A_80] {strides = array<i32>} : memref<8192xf32, #tpu.memory_space<vmem>>, vector<16xf32>,
      %get3A_82 = vector.shape_cast %get3A_81 : vector<16xf32> to vector<16xf32>
      %iota3A = tpu.iota {dimensions = array<i32: 0>} : vector<16xi32>
      %jit3A_83 = arith.constant 16 : i32
      %eq3A = arith.constant 0 : i32
      %eq3A_84 = arith.cmpi eq, %jit3A_83, %eq3A : i32
      %jit3A_85 = arith.constant 1 : i32
      %select_n3A_86 = arith.select %eq3A_84, %jit3A_85, %jit3A_83 : i32
      %rem3A_87 = arith.remsi %add3A_59, %select_n3A_86 : i32
      %ne3A_88 = arith.constant 0 : i32
      %ne3A_89 = arith.cmpi ne, %rem3A_87, %ne3A_88 : i32
      %lt3A = arith.constant 0 : i32
      %lt3A_90 = arith.cmpi slt, %rem3A_87, %lt3A : i32
      %lt3A_91 = arith.constant 0 : i32
      %lt3A_92 = arith.cmpi slt, %select_n3A_86, %lt3A_91 : i32
      %ne3A_93 = arith.xori %lt3A_90, %lt3A_92 : i1
      %and3A_94 = arith.andi %ne3A_93, %ne3A_89 : i1
      %add3A_95 = arith.addi %rem3A_87, %select_n3A_86 : i32
      %select_n3A_96 = arith.select %and3A_94, %add3A_95, %rem3A_87 : i32
      %eq3A_97 = vector.broadcast %select_n3A_96 : i32 to vector<16xi32>
      %eq3A_98 = arith.cmpi eq, %iota3A, %eq3A_97 : vector<16xi32>
      %lt3A_99 = arith.constant 5.000000e-02 : f32
      %lt3A_100 = vector.broadcast %lt3A_99 : f32 to vector<16xf32>
      %lt3A_101 = arith.cmpf olt, %get3A_82, %lt3A_100 : vector<16xf32>
      %and3A_102 = arith.andi %eq3A_98, %lt3A_101 : vector<16xi1>
      %div3A_103 = arith.constant 1.000000e+00 : f32
      %div3A_104 = vector.broadcast %div3A_103 : f32 to vector<16xf32>
      %div3A_105 = arith.divf %div3A_104, %get3A_82 : vector<16xf32>
      %jit3A_106 = arith.constant 9.99999998E+18 : f32
      %broadcast_in_dim3A_107 = vector.broadcast %jit3A_106 : f32 to vector<16xf32>
      %select_n3A_108 = arith.select %and3A_102, %div3A_105, %broadcast_in_dim3A_107 : vector<16xi1>, vector<16xf32>
      %sub3A_109 = arith.subf %select_n3A_108, %get3A_12 : vector<16xf32>
      %mul3A_110 = arith.mulf %sub3A_109, %sub3A_109 : vector<16xf32>
      %mul3A_111 = arith.mulf %mul3A_110, %get3A_33 : vector<16xf32>
      %exp3A = math.exp %mul3A_111 : vector<16xf32>
      %neg3A = arith.constant 0.000000e+00 : f32
      %neg3A_112 = vector.broadcast %neg3A : f32 to vector<16xf32>
      %neg3A_113 = arith.subf %neg3A_112, %exp3A : vector<16xf32>
      %swap3A = arith.constant 0 : i32
      %swap3A_114 = arith.index_cast %swap3A : i32 to index
      %swap3A_115 = arith.index_cast %mul3A_79 : i32 to index
      %swap3A_116 = tpu.vector_load %arg7[%swap3A_114, %swap3A_115] {strides = array<i32>} : memref<3x8192xf32, #tpu.memory_space<vmem>>, vector<1x16xf32>,
      %swap3A_117 = vector.shape_cast %swap3A_116 : vector<1x16xf32> to vector<16xf32>
      %swap3A_118 = vector.shape_cast %neg3A_113 : vector<16xf32> to vector<1x16xf32>
      tpu.vector_store %arg7[%swap3A_114, %swap3A_115], %swap3A_118 {add = true, strides = array<i32>} : memref<3x8192xf32, #tpu.memory_space<vmem>>, vector<1x16xf32>,
      %sub3A_119 = arith.subf %select_n3A_108, %get3A_19 : vector<16xf32>
      %mul3A_120 = arith.mulf %sub3A_119, %sub3A_119 : vector<16xf32>
      %mul3A_121 = arith.mulf %mul3A_120, %get3A_40 : vector<16xf32>
      %exp3A_122 = math.exp %mul3A_121 : vector<16xf32>
      %neg3A_123 = arith.constant 0.000000e+00 : f32
      %neg3A_124 = vector.broadcast %neg3A_123 : f32 to vector<16xf32>
      %neg3A_125 = arith.subf %neg3A_124, %exp3A_122 : vector<16xf32>
      %swap3A_126 = arith.constant 1 : i32
      %swap3A_127 = arith.index_cast %swap3A_126 : i32 to index
      %swap3A_128 = arith.index_cast %mul3A_79 : i32 to index
      %swap3A_129 = tpu.vector_load %arg7[%swap3A_127, %swap3A_128] {strides = array<i32>} : memref<3x8192xf32, #tpu.memory_space<vmem>>, vector<1x16xf32>,
      %swap3A_130 = vector.shape_cast %swap3A_129 : vector<1x16xf32> to vector<16xf32>
      %swap3A_131 = vector.shape_cast %neg3A_125 : vector<16xf32> to vector<1x16xf32>
      tpu.vector_store %arg7[%swap3A_127, %swap3A_128], %swap3A_131 {add = true, strides = array<i32>} : memref<3x8192xf32, #tpu.memory_space<vmem>>, vector<1x16xf32>,
      %sub3A_132 = arith.subf %select_n3A_108, %get3A_26 : vector<16xf32>
      %mul3A_133 = arith.mulf %sub3A_132, %sub3A_132 : vector<16xf32>
      %mul3A_134 = arith.mulf %mul3A_133, %get3A_47 : vector<16xf32>
      %exp3A_135 = math.exp %mul3A_134 : vector<16xf32>
      %neg3A_136 = arith.constant 0.000000e+00 : f32
      %neg3A_137 = vector.broadcast %neg3A_136 : f32 to vector<16xf32>
      %neg3A_138 = arith.subf %neg3A_137, %exp3A_135 : vector<16xf32>
      %swap3A_139 = arith.constant 2 : i32
      %swap3A_140 = arith.index_cast %swap3A_139 : i32 to index
      %swap3A_141 = arith.index_cast %mul3A_79 : i32 to index
      %swap3A_142 = tpu.vector_load %arg7[%swap3A_140, %swap3A_141] {strides = array<i32>} : memref<3x8192xf32, #tpu.memory_space<vmem>>, vector<1x16xf32>,
      %swap3A_143 = vector.shape_cast %swap3A_142 : vector<1x16xf32> to vector<16xf32>
      %swap3A_144 = vector.shape_cast %neg3A_138 : vector<16xf32> to vector<1x16xf32>
      tpu.vector_store %arg7[%swap3A_140, %swap3A_141], %swap3A_144 {add = true, strides = array<i32>} : memref<3x8192xf32, #tpu.memory_space<vmem>>, vector<1x16xf32>,
    }
    %scan3A_57 = arith.constant 40 : i32
    "tpu.region"() ({
      %run_scoped3A = tpu.sem_alloc : memref<!tpu.dma_semaphore, #tpu.memory_space<semaphore_mem>>
      %dma_start3A = arith.constant 0 : i32
      %dma_start3A_58 = arith.constant 0 : i32
      %dma_start3A_59 = tpu.memref_slice %arg4[%add3A, %dma_start3A, %dma_start3A_58] : memref<32x3x8192xf32, #tpu.memory_space<hbm>> -> memref<1x3x8192xf32, #tpu.memory_space<hbm>>
      %dma_start3A_60 = tpu.memref_squeeze %dma_start3A_59 : memref<1x3x8192xf32, #tpu.memory_space<hbm>> -> memref<3x8192xf32, #tpu.memory_space<hbm>>
      %dma_start3A_61 = arith.constant 0 : i32
      %dma_start3A_62 = arith.constant 0 : i32
      %dma_start3A_63 = tpu.memref_slice %arg4[%add3A, %dma_start3A_61, %dma_start3A_62] : memref<32x3x8192xf32, #tpu.memory_space<hbm>> -> memref<1x3x8192xf32, #tpu.memory_space<hbm>>
      %dma_start3A_64 = tpu.memref_squeeze %dma_start3A_63 : memref<1x3x8192xf32, #tpu.memory_space<hbm>> -> memref<3x8192xf32, #tpu.memory_space<hbm>>
      tpu.enqueue_dma source(%arg7 : memref<3x8192xf32, #tpu.memory_space<vmem>>) target(%dma_start3A_64 : memref<3x8192xf32, #tpu.memory_space<hbm>>) target_semaphore(%run_scoped3A : memref<!tpu.dma_semaphore, #tpu.memory_space<semaphore_mem>>)
      %dma_wait3A = arith.constant 0 : i32
      %dma_wait3A_65 = arith.constant 0 : i32
      %dma_wait3A_66 = tpu.memref_slice %arg4[%add3A, %dma_wait3A, %dma_wait3A_65] : memref<32x3x8192xf32, #tpu.memory_space<hbm>> -> memref<1x3x8192xf32, #tpu.memory_space<hbm>>
      %dma_wait3A_67 = tpu.memref_squeeze %dma_wait3A_66 : memref<1x3x8192xf32, #tpu.memory_space<hbm>> -> memref<3x8192xf32, #tpu.memory_space<hbm>>
      %dma_wait3A_68 = arith.constant 0 : i32
      %dma_wait3A_69 = arith.constant 0 : i32
      %dma_wait3A_70 = tpu.memref_slice %arg4[%add3A, %dma_wait3A_68, %dma_wait3A_69] : memref<32x3x8192xf32, #tpu.memory_space<hbm>> -> memref<1x3x8192xf32, #tpu.memory_space<hbm>>
      %dma_wait3A_71 = tpu.memref_squeeze %dma_wait3A_70 : memref<1x3x8192xf32, #tpu.memory_space<hbm>> -> memref<3x8192xf32, #tpu.memory_space<hbm>>
      tpu.wait_dma2 semaphore(%run_scoped3A : memref<!tpu.dma_semaphore, #tpu.memory_space<semaphore_mem>>) src(%arg7 : memref<3x8192xf32, #tpu.memory_space<vmem>>) dst(%dma_wait3A_71 : memref<3x8192xf32, #tpu.memory_space<hbm>>)
      tpu.yield
    }) : () -> ()
    return
  }
}

module attributes {stable_mosaic.version = 14 : i64} {
  func.func @_colsum_body(%arg0: i32, %arg1: memref<2x3xf32, #tpu.memory_space<smem>>, %arg2: memref<256x8192xf32, #tpu.memory_space<vmem>>, %arg3: memref<3x8192xf32, #tpu.memory_space<vmem>>, %arg4: memref<256x8192xf32, #tpu.memory_space<vmem>>) attributes {dimension_semantics = [#tpu.dimension_semantics<arbitrary>], iteration_bounds = array<i64: 27>, scalar_prefetch = 0 : i64, scratch_operands = 1 : i64, tpu.core_type = #tpu.core_type<tc>, window_params = [{transform_indices = @transform_0, window_bounds = array<i64: 2, 3>}, {transform_indices = @transform_1, window_bounds = array<i64: 256, 8192>}, {pipeline_mode = #tpu.pipeline_mode<synchronous>, transform_indices = @transform_2, window_bounds = array<i64: 3, 8192>}]} {
    %eq3A = arith.constant 0 : i32
    %eq3A_0 = arith.cmpi eq, %arg0, %eq3A : i32
    %convert_element_type3A = arith.extui %eq3A_0 : i1 to i32
    %cond3A = arith.constant 0 : i32
    %cond3A_1 = arith.cmpi ne, %convert_element_type3A, %cond3A : i32
    scf.if %cond3A_1 {
      %broadcast_in_dim3A_163 = arith.constant 0.000000e+00 : f32
      %broadcast_in_dim3A_164 = vector.broadcast %broadcast_in_dim3A_163 : f32 to vector<3x8192xf32>
      %swap3A_165 = arith.constant 0 : index
      %swap3A_166 = arith.constant 0 : index
      %swap3A_167 = vector.load %arg3[%swap3A_165, %swap3A_166] : memref<3x8192xf32, #tpu.memory_space<vmem>>, vector<3x8192xf32>
      tpu.vector_store %arg3[%swap3A_165, %swap3A_166], %broadcast_in_dim3A_164 {strides = array<i32>} : memref<3x8192xf32, #tpu.memory_space<vmem>>, vector<3x8192xf32>,
    } else {
    }
    %get3A = arith.constant 0 : index
    %get3A_2 = arith.constant 0 : index
    %get3A_3 = vector.load %arg2[%get3A, %get3A_2] : memref<256x8192xf32, #tpu.memory_space<vmem>>, vector<256x8192xf32>
    %lt3A = arith.constant 5.000000e-02 : f32
    %lt3A_4 = vector.broadcast %lt3A : f32 to vector<256x8192xf32>
    %lt3A_5 = arith.cmpf olt, %get3A_3, %lt3A_4 : vector<256x8192xf32>
    %div3A = arith.constant 1.000000e+00 : f32
    %div3A_6 = vector.broadcast %div3A : f32 to vector<256x8192xf32>
    %div3A_7 = arith.divf %div3A_6, %get3A_3 : vector<256x8192xf32>
    %jit3A = arith.constant 9.99999998E+18 : f32
    %broadcast_in_dim3A = vector.broadcast %jit3A : f32 to vector<256x8192xf32>
    %select_n3A = arith.select %lt3A_5, %div3A_7, %broadcast_in_dim3A : vector<256x8192xi1>, vector<256x8192xf32>
    %swap3A = arith.constant 0 : index
    %swap3A_8 = arith.constant 0 : index
    %swap3A_9 = vector.load %arg4[%swap3A, %swap3A_8] : memref<256x8192xf32, #tpu.memory_space<vmem>>, vector<256x8192xf32>
    tpu.vector_store %arg4[%swap3A, %swap3A_8], %select_n3A {strides = array<i32>} : memref<256x8192xf32, #tpu.memory_space<vmem>>, vector<256x8192xf32>,
    %get3A_10 = arith.constant 0 : index
    %get3A_11 = arith.constant 0 : index
    %get3A_12 = vector.load %arg4[%get3A_10, %get3A_11] : memref<256x8192xf32, #tpu.memory_space<vmem>>, vector<256x8192xf32>
    %broadcast_in_dim3A_13 = arith.constant 1.000000e+00 : bf16
    %broadcast_in_dim3A_14 = vector.broadcast %broadcast_in_dim3A_13 : bf16 to vector<1x256xbf16>
    %get3A_15 = arith.constant 0 : index
    %get3A_16 = arith.constant 0 : index
    %get3A_17 = memref.load %arg1[%get3A_15, %get3A_16] : memref<2x3xf32, #tpu.memory_space<smem>>
    %sub3A = vector.broadcast %get3A_17 : f32 to vector<256x8192xf32>
    %sub3A_18 = arith.subf %get3A_12, %sub3A : vector<256x8192xf32>
    %mul3A = arith.mulf %sub3A_18, %sub3A_18 : vector<256x8192xf32>
    %get3A_19 = arith.constant 1 : index
    %get3A_20 = arith.constant 0 : index
    %get3A_21 = memref.load %arg1[%get3A_19, %get3A_20] : memref<2x3xf32, #tpu.memory_space<smem>>
    %mul3A_22 = vector.broadcast %get3A_21 : f32 to vector<256x8192xf32>
    %mul3A_23 = arith.mulf %mul3A, %mul3A_22 : vector<256x8192xf32>
    %convert_element_type3A_24 = arith.truncf %mul3A_23 : vector<256x8192xf32> to vector<256x8192xbf16>
    %exp23A = math.exp2 %convert_element_type3A_24 : vector<256x8192xbf16>
    %get3A_25 = arith.constant 0 : index
    %get3A_26 = arith.constant 0 : index
    %get3A_27 = vector.load %arg3[%get3A_25, %get3A_26] : memref<3x8192xf32, #tpu.memory_space<vmem>>, vector<1x8192xf32>
    %dot_general3A = arith.constant dense<0.000000e+00> : vector<1x8192xf32>
    %dot_general3A_28 = tpu.matmul %broadcast_in_dim3A_14, %exp23A, %dot_general3A {dimension_numbers = #tpu.dot_dimension_numbers<[1], [0], [0], [1], [0, 0, 1, 1], [], []>, transpose_lhs_hint = false} : vector<1x256xbf16>, vector<256x8192xbf16>, vector<1x8192xf32> -> vector<1x8192xf32>
    %add3A = arith.addf %get3A_27, %dot_general3A_28 : vector<1x8192xf32>
    %swap3A_29 = arith.constant 0 : index
    %swap3A_30 = arith.constant 0 : index
    %swap3A_31 = vector.load %arg3[%swap3A_29, %swap3A_30] : memref<3x8192xf32, #tpu.memory_space<vmem>>, vector<1x8192xf32>
    tpu.vector_store %arg3[%swap3A_29, %swap3A_30], %add3A {strides = array<i32>} : memref<3x8192xf32, #tpu.memory_space<vmem>>, vector<1x8192xf32>,
    %get3A_32 = arith.constant 0 : index
    %get3A_33 = arith.constant 1 : index
    %get3A_34 = memref.load %arg1[%get3A_32, %get3A_33] : memref<2x3xf32, #tpu.memory_space<smem>>
    %sub3A_35 = vector.broadcast %get3A_34 : f32 to vector<256x8192xf32>
    %sub3A_36 = arith.subf %get3A_12, %sub3A_35 : vector<256x8192xf32>
    %mul3A_37 = arith.mulf %sub3A_36, %sub3A_36 : vector<256x8192xf32>
    %get3A_38 = arith.constant 1 : index
    %get3A_39 = arith.constant 1 : index
    %get3A_40 = memref.load %arg1[%get3A_38, %get3A_39] : memref<2x3xf32, #tpu.memory_space<smem>>
    %mul3A_41 = vector.broadcast %get3A_40 : f32 to vector<256x8192xf32>
    %mul3A_42 = arith.mulf %mul3A_37, %mul3A_41 : vector<256x8192xf32>
    %convert_element_type3A_43 = arith.truncf %mul3A_42 : vector<256x8192xf32> to vector<256x8192xbf16>
    %exp23A_44 = math.exp2 %convert_element_type3A_43 : vector<256x8192xbf16>
    %get3A_45 = arith.constant 1 : index
    %get3A_46 = arith.constant 0 : index
    %get3A_47 = vector.load %arg3[%get3A_45, %get3A_46] : memref<3x8192xf32, #tpu.memory_space<vmem>>, vector<1x8192xf32>
    %dot_general3A_48 = arith.constant dense<0.000000e+00> : vector<1x8192xf32>
    %dot_general3A_49 = tpu.matmul %broadcast_in_dim3A_14, %exp23A_44, %dot_general3A_48 {dimension_numbers = #tpu.dot_dimension_numbers<[1], [0], [0], [1], [0, 0, 1, 1], [], []>, transpose_lhs_hint = false} : vector<1x256xbf16>, vector<256x8192xbf16>, vector<1x8192xf32> -> vector<1x8192xf32>
    %add3A_50 = arith.addf %get3A_47, %dot_general3A_49 : vector<1x8192xf32>
    %swap3A_51 = arith.constant 1 : index
    %swap3A_52 = arith.constant 0 : index
    %swap3A_53 = vector.load %arg3[%swap3A_51, %swap3A_52] : memref<3x8192xf32, #tpu.memory_space<vmem>>, vector<1x8192xf32>
    tpu.vector_store %arg3[%swap3A_51, %swap3A_52], %add3A_50 {strides = array<i32>} : memref<3x8192xf32, #tpu.memory_space<vmem>>, vector<1x8192xf32>,
    %get3A_54 = arith.constant 0 : index
    %get3A_55 = arith.constant 2 : index
    %get3A_56 = memref.load %arg1[%get3A_54, %get3A_55] : memref<2x3xf32, #tpu.memory_space<smem>>
    %sub3A_57 = vector.broadcast %get3A_56 : f32 to vector<256x8192xf32>
    %sub3A_58 = arith.subf %get3A_12, %sub3A_57 : vector<256x8192xf32>
    %mul3A_59 = arith.mulf %sub3A_58, %sub3A_58 : vector<256x8192xf32>
    %get3A_60 = arith.constant 1 : index
    %get3A_61 = arith.constant 2 : index
    %get3A_62 = memref.load %arg1[%get3A_60, %get3A_61] : memref<2x3xf32, #tpu.memory_space<smem>>
    %mul3A_63 = vector.broadcast %get3A_62 : f32 to vector<256x8192xf32>
    %mul3A_64 = arith.mulf %mul3A_59, %mul3A_63 : vector<256x8192xf32>
    %convert_element_type3A_65 = arith.truncf %mul3A_64 : vector<256x8192xf32> to vector<256x8192xbf16>
    %exp23A_66 = math.exp2 %convert_element_type3A_65 : vector<256x8192xbf16>
    %get3A_67 = arith.constant 2 : index
    %get3A_68 = arith.constant 0 : index
    %get3A_69 = vector.load %arg3[%get3A_67, %get3A_68] : memref<3x8192xf32, #tpu.memory_space<vmem>>, vector<1x8192xf32>
    %dot_general3A_70 = arith.constant dense<0.000000e+00> : vector<1x8192xf32>
    %dot_general3A_71 = tpu.matmul %broadcast_in_dim3A_14, %exp23A_66, %dot_general3A_70 {dimension_numbers = #tpu.dot_dimension_numbers<[1], [0], [0], [1], [0, 0, 1, 1], [], []>, transpose_lhs_hint = false} : vector<1x256xbf16>, vector<256x8192xbf16>, vector<1x8192xf32> -> vector<1x8192xf32>
    %add3A_72 = arith.addf %get3A_69, %dot_general3A_71 : vector<1x8192xf32>
    %swap3A_73 = arith.constant 2 : index
    %swap3A_74 = arith.constant 0 : index
    %swap3A_75 = vector.load %arg3[%swap3A_73, %swap3A_74] : memref<3x8192xf32, #tpu.memory_space<vmem>>, vector<1x8192xf32>
    tpu.vector_store %arg3[%swap3A_73, %swap3A_74], %add3A_72 {strides = array<i32>} : memref<3x8192xf32, #tpu.memory_space<vmem>>, vector<1x8192xf32>,
    %mul3A_76 = arith.constant 256 : i32
    %mul3A_77 = arith.muli %arg0, %mul3A_76 : i32
    %get3A_78 = arith.constant 0 : index
    %get3A_79 = arith.index_cast %mul3A_77 : i32 to index
    %get3A_80 = vector.load %arg2[%get3A_78, %get3A_79] : memref<256x8192xf32, #tpu.memory_space<vmem>>, vector<256x256xf32>
    %iota3A = tpu.iota {dimensions = array<i32: 0>} : vector<256x256xi32>
    %iota3A_81 = tpu.iota {dimensions = array<i32: 1>} : vector<256x256xi32>
    %eq3A_82 = arith.cmpi eq, %iota3A, %iota3A_81 : vector<256x256xi32>
    %lt3A_83 = arith.constant 5.000000e-02 : f32
    %lt3A_84 = vector.broadcast %lt3A_83 : f32 to vector<256x256xf32>
    %lt3A_85 = arith.cmpf olt, %get3A_80, %lt3A_84 : vector<256x256xf32>
    %and3A = arith.andi %eq3A_82, %lt3A_85 : vector<256x256xi1>
    %div3A_86 = arith.constant 1.000000e+00 : f32
    %div3A_87 = vector.broadcast %div3A_86 : f32 to vector<256x256xf32>
    %div3A_88 = arith.divf %div3A_87, %get3A_80 : vector<256x256xf32>
    %jit3A_89 = arith.constant 9.99999998E+18 : f32
    %broadcast_in_dim3A_90 = vector.broadcast %jit3A_89 : f32 to vector<256x256xf32>
    %select_n3A_91 = arith.select %and3A, %div3A_88, %broadcast_in_dim3A_90 : vector<256x256xi1>, vector<256x256xf32>
    %get3A_92 = arith.constant 0 : index
    %get3A_93 = arith.constant 0 : index
    %get3A_94 = memref.load %arg1[%get3A_92, %get3A_93] : memref<2x3xf32, #tpu.memory_space<smem>>
    %sub3A_95 = vector.broadcast %get3A_94 : f32 to vector<256x256xf32>
    %sub3A_96 = arith.subf %select_n3A_91, %sub3A_95 : vector<256x256xf32>
    %mul3A_97 = arith.mulf %sub3A_96, %sub3A_96 : vector<256x256xf32>
    %get3A_98 = arith.constant 1 : index
    %get3A_99 = arith.constant 0 : index
    %get3A_100 = memref.load %arg1[%get3A_98, %get3A_99] : memref<2x3xf32, #tpu.memory_space<smem>>
    %mul3A_101 = vector.broadcast %get3A_100 : f32 to vector<256x256xf32>
    %mul3A_102 = arith.mulf %mul3A_97, %mul3A_101 : vector<256x256xf32>
    %exp23A_103 = math.exp2 %mul3A_102 : vector<256x256xf32>
    %mul3A_104 = arith.constant 256 : i32
    %mul3A_105 = arith.muli %arg0, %mul3A_104 : i32
    %get3A_106 = arith.constant 0 : index
    %get3A_107 = arith.index_cast %mul3A_105 : i32 to index
    %get3A_108 = vector.load %arg3[%get3A_106, %get3A_107] : memref<3x8192xf32, #tpu.memory_space<vmem>>, vector<1x256xf32>
    %reduce_sum3A = arith.constant dense<0.000000e+00> : vector<256xf32>
    %reduce_sum3A_109 = vector.multi_reduction <add>, %exp23A_103, %reduce_sum3A [0] : vector<256x256xf32> to vector<256xf32>
    %broadcast_in_dim3A_110 = vector.shape_cast %reduce_sum3A_109 : vector<256xf32> to vector<1x256xf32>
    %sub3A_111 = arith.subf %get3A_108, %broadcast_in_dim3A_110 : vector<1x256xf32>
    %swap3A_112 = arith.constant 0 : index
    %swap3A_113 = arith.index_cast %mul3A_105 : i32 to index
    %swap3A_114 = vector.load %arg3[%swap3A_112, %swap3A_113] : memref<3x8192xf32, #tpu.memory_space<vmem>>, vector<1x256xf32>
    tpu.vector_store %arg3[%swap3A_112, %swap3A_113], %sub3A_111 {strides = array<i32>} : memref<3x8192xf32, #tpu.memory_space<vmem>>, vector<1x256xf32>,
    %get3A_115 = arith.constant 0 : index
    %get3A_116 = arith.constant 1 : index
    %get3A_117 = memref.load %arg1[%get3A_115, %get3A_116] : memref<2x3xf32, #tpu.memory_space<smem>>
    %sub3A_118 = vector.broadcast %get3A_117 : f32 to vector<256x256xf32>
    %sub3A_119 = arith.subf %select_n3A_91, %sub3A_118 : vector<256x256xf32>
    %mul3A_120 = arith.mulf %sub3A_119, %sub3A_119 : vector<256x256xf32>
    %get3A_121 = arith.constant 1 : index
    %get3A_122 = arith.constant 1 : index
    %get3A_123 = memref.load %arg1[%get3A_121, %get3A_122] : memref<2x3xf32, #tpu.memory_space<smem>>
    %mul3A_124 = vector.broadcast %get3A_123 : f32 to vector<256x256xf32>
    %mul3A_125 = arith.mulf %mul3A_120, %mul3A_124 : vector<256x256xf32>
    %exp23A_126 = math.exp2 %mul3A_125 : vector<256x256xf32>
    %mul3A_127 = arith.constant 256 : i32
    %mul3A_128 = arith.muli %arg0, %mul3A_127 : i32
    %get3A_129 = arith.constant 1 : index
    %get3A_130 = arith.index_cast %mul3A_128 : i32 to index
    %get3A_131 = vector.load %arg3[%get3A_129, %get3A_130] : memref<3x8192xf32, #tpu.memory_space<vmem>>, vector<1x256xf32>
    %reduce_sum3A_132 = arith.constant dense<0.000000e+00> : vector<256xf32>
    %reduce_sum3A_133 = vector.multi_reduction <add>, %exp23A_126, %reduce_sum3A_132 [0] : vector<256x256xf32> to vector<256xf32>
    %broadcast_in_dim3A_134 = vector.shape_cast %reduce_sum3A_133 : vector<256xf32> to vector<1x256xf32>
    %sub3A_135 = arith.subf %get3A_131, %broadcast_in_dim3A_134 : vector<1x256xf32>
    %swap3A_136 = arith.constant 1 : index
    %swap3A_137 = arith.index_cast %mul3A_128 : i32 to index
    %swap3A_138 = vector.load %arg3[%swap3A_136, %swap3A_137] : memref<3x8192xf32, #tpu.memory_space<vmem>>, vector<1x256xf32>
    tpu.vector_store %arg3[%swap3A_136, %swap3A_137], %sub3A_135 {strides = array<i32>} : memref<3x8192xf32, #tpu.memory_space<vmem>>, vector<1x256xf32>,
    %get3A_139 = arith.constant 0 : index
    %get3A_140 = arith.constant 2 : index
    %get3A_141 = memref.load %arg1[%get3A_139, %get3A_140] : memref<2x3xf32, #tpu.memory_space<smem>>
    %sub3A_142 = vector.broadcast %get3A_141 : f32 to vector<256x256xf32>
    %sub3A_143 = arith.subf %select_n3A_91, %sub3A_142 : vector<256x256xf32>
    %mul3A_144 = arith.mulf %sub3A_143, %sub3A_143 : vector<256x256xf32>
    %get3A_145 = arith.constant 1 : index
    %get3A_146 = arith.constant 2 : index
    %get3A_147 = memref.load %arg1[%get3A_145, %get3A_146] : memref<2x3xf32, #tpu.memory_space<smem>>
    %mul3A_148 = vector.broadcast %get3A_147 : f32 to vector<256x256xf32>
    %mul3A_149 = arith.mulf %mul3A_144, %mul3A_148 : vector<256x256xf32>
    %exp23A_150 = math.exp2 %mul3A_149 : vector<256x256xf32>
    %mul3A_151 = arith.constant 256 : i32
    %mul3A_152 = arith.muli %arg0, %mul3A_151 : i32
    %get3A_153 = arith.constant 2 : index
    %get3A_154 = arith.index_cast %mul3A_152 : i32 to index
    %get3A_155 = vector.load %arg3[%get3A_153, %get3A_154] : memref<3x8192xf32, #tpu.memory_space<vmem>>, vector<1x256xf32>
    %reduce_sum3A_156 = arith.constant dense<0.000000e+00> : vector<256xf32>
    %reduce_sum3A_157 = vector.multi_reduction <add>, %exp23A_150, %reduce_sum3A_156 [0] : vector<256x256xf32> to vector<256xf32>
    %broadcast_in_dim3A_158 = vector.shape_cast %reduce_sum3A_157 : vector<256xf32> to vector<1x256xf32>
    %sub3A_159 = arith.subf %get3A_155, %broadcast_in_dim3A_158 : vector<1x256xf32>
    %swap3A_160 = arith.constant 2 : index
    %swap3A_161 = arith.index_cast %mul3A_152 : i32 to index
    %swap3A_162 = vector.load %arg3[%swap3A_160, %swap3A_161] : memref<3x8192xf32, #tpu.memory_space<vmem>>, vector<1x256xf32>
    tpu.vector_store %arg3[%swap3A_160, %swap3A_161], %sub3A_159 {strides = array<i32>} : memref<3x8192xf32, #tpu.memory_space<vmem>>, vector<1x256xf32>,
    return
  }
  func.func @transform_0(%arg0: i32) -> (i32, i32) {
    %c0_i32 = arith.constant 0 : i32
    %c0_i32_0 = arith.constant 0 : i32
    %c0_i32_1 = arith.constant 0 : i32
    return %c0_i32, %c0_i32_0 : i32, i32
  }
  func.func @transform_1(%arg0: i32) -> (i32, i32) {
    %c0_i32 = arith.constant 0 : i32
    %c0_i32_0 = arith.constant 0 : i32
    return %arg0, %c0_i32 : i32, i32
  }
  func.func @transform_2(%arg0: i32) -> (i32, i32) {
    %c0_i32 = arith.constant 0 : i32
    %c0_i32_0 = arith.constant 0 : i32
    %c0_i32_1 = arith.constant 0 : i32
    return %c0_i32, %c0_i32_0 : i32, i32
  }
}

module attributes {stable_mosaic.version = 14 : i64} {
  func.func @_head_body(%arg0: memref<8192x64xf32, #tpu.memory_space<vmem>>, %arg1: memref<3x64x32xf32, #tpu.memory_space<vmem>>, %arg2: memref<3x32xf32, #tpu.memory_space<vmem>>, %arg3: memref<3x32x32xf32, #tpu.memory_space<vmem>>, %arg4: memref<3x32xf32, #tpu.memory_space<vmem>>, %arg5: memref<3x8192xf32, #tpu.memory_space<vmem>>, %arg6: memref<32x3x8192xf32, #tpu.memory_space<vmem>>, %arg7: memref<3x32xf32, #tpu.memory_space<vmem>>, %arg8: memref<1x3xf32, #tpu.memory_space<smem>>, %arg9: memref<1x32xf32, #tpu.memory_space<vmem>>, %arg10: memref<1x32xf32, #tpu.memory_space<vmem>>, %arg11: memref<1x1xf32, #tpu.memory_space<vmem>>) attributes {dimension_semantics = [], scalar_prefetch = 0 : i64, scratch_operands = 0 : i64, tpu.core_type = #tpu.core_type<tc>} {
    %get3A = arith.constant 0 : index
    %get3A_0 = arith.constant 0 : index
    %get3A_1 = vector.load %arg0[%get3A, %get3A_0] : memref<8192x64xf32, #tpu.memory_space<vmem>>, vector<8192x64xf32>
    %get3A_2 = arith.constant 0 : index
    %get3A_3 = arith.constant 0 : index
    %get3A_4 = vector.load %arg5[%get3A_2, %get3A_3] : memref<3x8192xf32, #tpu.memory_space<vmem>>, vector<3x8192xf32>
    %get3A_5 = arith.constant 0 : index
    %get3A_6 = arith.constant 0 : index
    %get3A_7 = arith.constant 0 : index
    %get3A_8 = vector.load %arg6[%get3A_5, %get3A_6, %get3A_7] : memref<32x3x8192xf32, #tpu.memory_space<vmem>>, vector<32x3x8192xf32>
    %reduce_sum3A = arith.constant dense<0.000000e+00> : vector<3x8192xf32>
    %reduce_sum3A_9 = vector.multi_reduction <add>, %get3A_8, %reduce_sum3A [0] : vector<32x3x8192xf32> to vector<3x8192xf32>
    %add3A = arith.addf %get3A_4, %reduce_sum3A_9 : vector<3x8192xf32>
    %broadcast_in_dim3A = arith.constant 0.000000e+00 : f32
    %broadcast_in_dim3A_10 = vector.broadcast %broadcast_in_dim3A : f32 to vector<1x32xf32>
    %get3A_11 = arith.constant 0 : index
    %get3A_12 = arith.constant 0 : index
    %get3A_13 = arith.constant 0 : index
    %get3A_14 = vector.load %arg1[%get3A_11, %get3A_12, %get3A_13] : memref<3x64x32xf32, #tpu.memory_space<vmem>>, vector<1x64x32xf32>
    %get3A_15 = vector.shape_cast %get3A_14 : vector<1x64x32xf32> to vector<64x32xf32>
    %dot_general3A = arith.constant dense<0.000000e+00> : vector<8192x32xf32>
    %dot_general3A_16 = tpu.matmul %get3A_1, %get3A_15, %dot_general3A {dimension_numbers = #tpu.dot_dimension_numbers<[1], [0], [0], [1], [0, 0, 1, 1], [], []>, transpose_lhs_hint = false} : vector<8192x64xf32>, vector<64x32xf32>, vector<8192x32xf32> -> vector<8192x32xf32>
    %get3A_17 = arith.constant 0 : index
    %get3A_18 = arith.constant 0 : index
    %get3A_19 = vector.load %arg2[%get3A_17, %get3A_18] : memref<3x32xf32, #tpu.memory_space<vmem>>, vector<1x32xf32>
    %add3A_20 = vector.broadcast %get3A_19 : vector<1x32xf32> to vector<8192x32xf32>
    %add3A_21 = arith.addf %dot_general3A_16, %add3A_20 : vector<8192x32xf32>
    %max3A = arith.constant 0.000000e+00 : f32
    %max3A_22 = vector.broadcast %max3A : f32 to vector<8192x32xf32>
    %max3A_23 = arith.maximumf %add3A_21, %max3A_22 : vector<8192x32xf32>
    %abs3A = math.absf %add3A_21 : vector<8192x32xf32>
    %neg3A = arith.constant 0.000000e+00 : f32
    %neg3A_24 = vector.broadcast %neg3A : f32 to vector<8192x32xf32>
    %neg3A_25 = arith.subf %neg3A_24, %abs3A : vector<8192x32xf32>
    %exp3A = math.exp %neg3A_25 : vector<8192x32xf32>
    %log1p3A = math.log1p %exp3A : vector<8192x32xf32>
    %add3A_26 = arith.addf %max3A_23, %log1p3A : vector<8192x32xf32>
    %reduce_sum3A_27 = arith.constant dense<0.000000e+00> : vector<32xf32>
    %reduce_sum3A_28 = vector.multi_reduction <add>, %add3A_26, %reduce_sum3A_27 [0] : vector<8192x32xf32> to vector<32xf32>
    %broadcast_in_dim3A_29 = vector.shape_cast %reduce_sum3A_28 : vector<32xf32> to vector<1x32xf32>
    %slice3A = vector.extract_strided_slice %add3A {offsets = [0, 0], sizes = [1, 8192], strides = [1, 1]} : vector<3x8192xf32> to vector<1x8192xf32>
    %dot_general3A_30 = arith.constant dense<0.000000e+00> : vector<1x32xf32>
    %dot_general3A_31 = tpu.matmul %slice3A, %add3A_26, %dot_general3A_30 {dimension_numbers = #tpu.dot_dimension_numbers<[1], [0], [0], [1], [0, 0, 1, 1], [], []>, transpose_lhs_hint = false} : vector<1x8192xf32>, vector<8192x32xf32>, vector<1x32xf32> -> vector<1x32xf32>
    %get3A_32 = arith.constant 0 : index
    %get3A_33 = arith.constant 0 : index
    %get3A_34 = arith.constant 0 : index
    %get3A_35 = vector.load %arg3[%get3A_32, %get3A_33, %get3A_34] : memref<3x32x32xf32, #tpu.memory_space<vmem>>, vector<1x32x32xf32>
    %get3A_36 = vector.shape_cast %get3A_35 : vector<1x32x32xf32> to vector<32x32xf32>
    %dot_general3A_37 = arith.constant dense<0.000000e+00> : vector<1x32xf32>
    %dot_general3A_38 = tpu.matmul %dot_general3A_31, %get3A_36, %dot_general3A_37 {dimension_numbers = #tpu.dot_dimension_numbers<[1], [0], [0], [1], [0, 0, 1, 1], [], []>, transpose_lhs_hint = false} : vector<1x32xf32>, vector<32x32xf32>, vector<1x32xf32> -> vector<1x32xf32>
    %reduce_sum3A_39 = vector.shape_cast %slice3A : vector<1x8192xf32> to vector<1x1x8192xf32>
    %reduce_sum3A_40 = arith.constant dense<0.000000e+00> : vector<1xf32>
    %reduce_sum3A_41 = vector.multi_reduction <add>, %reduce_sum3A_39, %reduce_sum3A_40 [1, 2] : vector<1x1x8192xf32> to vector<1xf32>
    %reduce_sum3A_42 = vector.shape_cast %reduce_sum3A_41 : vector<1xf32> to vector<1x1x1xf32>
    %reduce_sum3A_43 = vector.extract %reduce_sum3A_42[0, 0, 0] : f32 from vector<1x1x1xf32>
    %get3A_44 = arith.constant 0 : index
    %get3A_45 = arith.constant 0 : index
    %get3A_46 = vector.load %arg4[%get3A_44, %get3A_45] : memref<3x32xf32, #tpu.memory_space<vmem>>, vector<1x32xf32>
    %mul3A = vector.broadcast %reduce_sum3A_43 : f32 to vector<1x32xf32>
    %mul3A_47 = arith.mulf %mul3A, %get3A_46 : vector<1x32xf32>
    %add3A_48 = arith.addf %dot_general3A_38, %mul3A_47 : vector<1x32xf32>
    %get3A_49 = arith.constant 0 : index
    %get3A_50 = arith.constant 0 : index
    %get3A_51 = vector.load %arg7[%get3A_49, %get3A_50] : memref<3x32xf32, #tpu.memory_space<vmem>>, vector<1x32xf32>
    %add3A_52 = arith.addf %broadcast_in_dim3A_29, %add3A_48 : vector<1x32xf32>
    %mul3A_53 = arith.mulf %get3A_51, %add3A_52 : vector<1x32xf32>
    %add3A_54 = arith.addf %broadcast_in_dim3A_10, %mul3A_53 : vector<1x32xf32>
    %get3A_55 = arith.constant 0 : index
    %get3A_56 = arith.constant 0 : index
    %get3A_57 = memref.load %arg8[%get3A_55, %get3A_56] : memref<1x3xf32, #tpu.memory_space<smem>>
    %add3A_58 = vector.broadcast %get3A_57 : f32 to vector<1x32xf32>
    %add3A_59 = arith.addf %add3A_54, %add3A_58 : vector<1x32xf32>
    %get3A_60 = arith.constant 1 : index
    %get3A_61 = arith.constant 0 : index
    %get3A_62 = arith.constant 0 : index
    %get3A_63 = vector.load %arg1[%get3A_60, %get3A_61, %get3A_62] : memref<3x64x32xf32, #tpu.memory_space<vmem>>, vector<1x64x32xf32>
    %get3A_64 = vector.shape_cast %get3A_63 : vector<1x64x32xf32> to vector<64x32xf32>
    %dot_general3A_65 = arith.constant dense<0.000000e+00> : vector<8192x32xf32>
    %dot_general3A_66 = tpu.matmul %get3A_1, %get3A_64, %dot_general3A_65 {dimension_numbers = #tpu.dot_dimension_numbers<[1], [0], [0], [1], [0, 0, 1, 1], [], []>, transpose_lhs_hint = false} : vector<8192x64xf32>, vector<64x32xf32>, vector<8192x32xf32> -> vector<8192x32xf32>
    %get3A_67 = arith.constant 1 : index
    %get3A_68 = arith.constant 0 : index
    %get3A_69 = vector.load %arg2[%get3A_67, %get3A_68] : memref<3x32xf32, #tpu.memory_space<vmem>>, vector<1x32xf32>
    %add3A_70 = vector.broadcast %get3A_69 : vector<1x32xf32> to vector<8192x32xf32>
    %add3A_71 = arith.addf %dot_general3A_66, %add3A_70 : vector<8192x32xf32>
    %max3A_72 = arith.constant 0.000000e+00 : f32
    %max3A_73 = vector.broadcast %max3A_72 : f32 to vector<8192x32xf32>
    %max3A_74 = arith.maximumf %add3A_71, %max3A_73 : vector<8192x32xf32>
    %abs3A_75 = math.absf %add3A_71 : vector<8192x32xf32>
    %neg3A_76 = arith.constant 0.000000e+00 : f32
    %neg3A_77 = vector.broadcast %neg3A_76 : f32 to vector<8192x32xf32>
    %neg3A_78 = arith.subf %neg3A_77, %abs3A_75 : vector<8192x32xf32>
    %exp3A_79 = math.exp %neg3A_78 : vector<8192x32xf32>
    %log1p3A_80 = math.log1p %exp3A_79 : vector<8192x32xf32>
    %add3A_81 = arith.addf %max3A_74, %log1p3A_80 : vector<8192x32xf32>
    %reduce_sum3A_82 = arith.constant dense<0.000000e+00> : vector<32xf32>
    %reduce_sum3A_83 = vector.multi_reduction <add>, %add3A_81, %reduce_sum3A_82 [0] : vector<8192x32xf32> to vector<32xf32>
    %broadcast_in_dim3A_84 = vector.shape_cast %reduce_sum3A_83 : vector<32xf32> to vector<1x32xf32>
    %slice3A_85 = vector.extract_strided_slice %add3A {offsets = [1, 0], sizes = [1, 8192], strides = [1, 1]} : vector<3x8192xf32> to vector<1x8192xf32>
    %dot_general3A_86 = arith.constant dense<0.000000e+00> : vector<1x32xf32>
    %dot_general3A_87 = tpu.matmul %slice3A_85, %add3A_81, %dot_general3A_86 {dimension_numbers = #tpu.dot_dimension_numbers<[1], [0], [0], [1], [0, 0, 1, 1], [], []>, transpose_lhs_hint = false} : vector<1x8192xf32>, vector<8192x32xf32>, vector<1x32xf32> -> vector<1x32xf32>
    %get3A_88 = arith.constant 1 : index
    %get3A_89 = arith.constant 0 : index
    %get3A_90 = arith.constant 0 : index
    %get3A_91 = vector.load %arg3[%get3A_88, %get3A_89, %get3A_90] : memref<3x32x32xf32, #tpu.memory_space<vmem>>, vector<1x32x32xf32>
    %get3A_92 = vector.shape_cast %get3A_91 : vector<1x32x32xf32> to vector<32x32xf32>
    %dot_general3A_93 = arith.constant dense<0.000000e+00> : vector<1x32xf32>
    %dot_general3A_94 = tpu.matmul %dot_general3A_87, %get3A_92, %dot_general3A_93 {dimension_numbers = #tpu.dot_dimension_numbers<[1], [0], [0], [1], [0, 0, 1, 1], [], []>, transpose_lhs_hint = false} : vector<1x32xf32>, vector<32x32xf32>, vector<1x32xf32> -> vector<1x32xf32>
    %reduce_sum3A_95 = vector.shape_cast %slice3A_85 : vector<1x8192xf32> to vector<1x1x8192xf32>
    %reduce_sum3A_96 = arith.constant dense<0.000000e+00> : vector<1xf32>
    %reduce_sum3A_97 = vector.multi_reduction <add>, %reduce_sum3A_95, %reduce_sum3A_96 [1, 2] : vector<1x1x8192xf32> to vector<1xf32>
    %reduce_sum3A_98 = vector.shape_cast %reduce_sum3A_97 : vector<1xf32> to vector<1x1x1xf32>
    %reduce_sum3A_99 = vector.extract %reduce_sum3A_98[0, 0, 0] : f32 from vector<1x1x1xf32>
    %get3A_100 = arith.constant 1 : index
    %get3A_101 = arith.constant 0 : index
    %get3A_102 = vector.load %arg4[%get3A_100, %get3A_101] : memref<3x32xf32, #tpu.memory_space<vmem>>, vector<1x32xf32>
    %mul3A_103 = vector.broadcast %reduce_sum3A_99 : f32 to vector<1x32xf32>
    %mul3A_104 = arith.mulf %mul3A_103, %get3A_102 : vector<1x32xf32>
    %add3A_105 = arith.addf %dot_general3A_94, %mul3A_104 : vector<1x32xf32>
    %get3A_106 = arith.constant 1 : index
    %get3A_107 = arith.constant 0 : index
    %get3A_108 = vector.load %arg7[%get3A_106, %get3A_107] : memref<3x32xf32, #tpu.memory_space<vmem>>, vector<1x32xf32>
    %add3A_109 = arith.addf %broadcast_in_dim3A_84, %add3A_105 : vector<1x32xf32>
    %mul3A_110 = arith.mulf %get3A_108, %add3A_109 : vector<1x32xf32>
    %add3A_111 = arith.addf %add3A_59, %mul3A_110 : vector<1x32xf32>
    %get3A_112 = arith.constant 0 : index
    %get3A_113 = arith.constant 1 : index
    %get3A_114 = memref.load %arg8[%get3A_112, %get3A_113] : memref<1x3xf32, #tpu.memory_space<smem>>
    %add3A_115 = vector.broadcast %get3A_114 : f32 to vector<1x32xf32>
    %add3A_116 = arith.addf %add3A_111, %add3A_115 : vector<1x32xf32>
    %get3A_117 = arith.constant 2 : index
    %get3A_118 = arith.constant 0 : index
    %get3A_119 = arith.constant 0 : index
    %get3A_120 = vector.load %arg1[%get3A_117, %get3A_118, %get3A_119] : memref<3x64x32xf32, #tpu.memory_space<vmem>>, vector<1x64x32xf32>
    %get3A_121 = vector.shape_cast %get3A_120 : vector<1x64x32xf32> to vector<64x32xf32>
    %dot_general3A_122 = arith.constant dense<0.000000e+00> : vector<8192x32xf32>
    %dot_general3A_123 = tpu.matmul %get3A_1, %get3A_121, %dot_general3A_122 {dimension_numbers = #tpu.dot_dimension_numbers<[1], [0], [0], [1], [0, 0, 1, 1], [], []>, transpose_lhs_hint = false} : vector<8192x64xf32>, vector<64x32xf32>, vector<8192x32xf32> -> vector<8192x32xf32>
    %get3A_124 = arith.constant 2 : index
    %get3A_125 = arith.constant 0 : index
    %get3A_126 = vector.load %arg2[%get3A_124, %get3A_125] : memref<3x32xf32, #tpu.memory_space<vmem>>, vector<1x32xf32>
    %add3A_127 = vector.broadcast %get3A_126 : vector<1x32xf32> to vector<8192x32xf32>
    %add3A_128 = arith.addf %dot_general3A_123, %add3A_127 : vector<8192x32xf32>
    %max3A_129 = arith.constant 0.000000e+00 : f32
    %max3A_130 = vector.broadcast %max3A_129 : f32 to vector<8192x32xf32>
    %max3A_131 = arith.maximumf %add3A_128, %max3A_130 : vector<8192x32xf32>
    %abs3A_132 = math.absf %add3A_128 : vector<8192x32xf32>
    %neg3A_133 = arith.constant 0.000000e+00 : f32
    %neg3A_134 = vector.broadcast %neg3A_133 : f32 to vector<8192x32xf32>
    %neg3A_135 = arith.subf %neg3A_134, %abs3A_132 : vector<8192x32xf32>
    %exp3A_136 = math.exp %neg3A_135 : vector<8192x32xf32>
    %log1p3A_137 = math.log1p %exp3A_136 : vector<8192x32xf32>
    %add3A_138 = arith.addf %max3A_131, %log1p3A_137 : vector<8192x32xf32>
    %reduce_sum3A_139 = arith.constant dense<0.000000e+00> : vector<32xf32>
    %reduce_sum3A_140 = vector.multi_reduction <add>, %add3A_138, %reduce_sum3A_139 [0] : vector<8192x32xf32> to vector<32xf32>
    %broadcast_in_dim3A_141 = vector.shape_cast %reduce_sum3A_140 : vector<32xf32> to vector<1x32xf32>
    %slice3A_142 = vector.extract_strided_slice %add3A {offsets = [2, 0], sizes = [1, 8192], strides = [1, 1]} : vector<3x8192xf32> to vector<1x8192xf32>
    %dot_general3A_143 = arith.constant dense<0.000000e+00> : vector<1x32xf32>
    %dot_general3A_144 = tpu.matmul %slice3A_142, %add3A_138, %dot_general3A_143 {dimension_numbers = #tpu.dot_dimension_numbers<[1], [0], [0], [1], [0, 0, 1, 1], [], []>, transpose_lhs_hint = false} : vector<1x8192xf32>, vector<8192x32xf32>, vector<1x32xf32> -> vector<1x32xf32>
    %get3A_145 = arith.constant 2 : index
    %get3A_146 = arith.constant 0 : index
    %get3A_147 = arith.constant 0 : index
    %get3A_148 = vector.load %arg3[%get3A_145, %get3A_146, %get3A_147] : memref<3x32x32xf32, #tpu.memory_space<vmem>>, vector<1x32x32xf32>
    %get3A_149 = vector.shape_cast %get3A_148 : vector<1x32x32xf32> to vector<32x32xf32>
    %dot_general3A_150 = arith.constant dense<0.000000e+00> : vector<1x32xf32>
    %dot_general3A_151 = tpu.matmul %dot_general3A_144, %get3A_149, %dot_general3A_150 {dimension_numbers = #tpu.dot_dimension_numbers<[1], [0], [0], [1], [0, 0, 1, 1], [], []>, transpose_lhs_hint = false} : vector<1x32xf32>, vector<32x32xf32>, vector<1x32xf32> -> vector<1x32xf32>
    %reduce_sum3A_152 = vector.shape_cast %slice3A_142 : vector<1x8192xf32> to vector<1x1x8192xf32>
    %reduce_sum3A_153 = arith.constant dense<0.000000e+00> : vector<1xf32>
    %reduce_sum3A_154 = vector.multi_reduction <add>, %reduce_sum3A_152, %reduce_sum3A_153 [1, 2] : vector<1x1x8192xf32> to vector<1xf32>
    %reduce_sum3A_155 = vector.shape_cast %reduce_sum3A_154 : vector<1xf32> to vector<1x1x1xf32>
    %reduce_sum3A_156 = vector.extract %reduce_sum3A_155[0, 0, 0] : f32 from vector<1x1x1xf32>
    %get3A_157 = arith.constant 2 : index
    %get3A_158 = arith.constant 0 : index
    %get3A_159 = vector.load %arg4[%get3A_157, %get3A_158] : memref<3x32xf32, #tpu.memory_space<vmem>>, vector<1x32xf32>
    %mul3A_160 = vector.broadcast %reduce_sum3A_156 : f32 to vector<1x32xf32>
    %mul3A_161 = arith.mulf %mul3A_160, %get3A_159 : vector<1x32xf32>
    %add3A_162 = arith.addf %dot_general3A_151, %mul3A_161 : vector<1x32xf32>
    %get3A_163 = arith.constant 2 : index
    %get3A_164 = arith.constant 0 : index
    %get3A_165 = vector.load %arg7[%get3A_163, %get3A_164] : memref<3x32xf32, #tpu.memory_space<vmem>>, vector<1x32xf32>
    %add3A_166 = arith.addf %broadcast_in_dim3A_141, %add3A_162 : vector<1x32xf32>
    %mul3A_167 = arith.mulf %get3A_165, %add3A_166 : vector<1x32xf32>
    %add3A_168 = arith.addf %add3A_116, %mul3A_167 : vector<1x32xf32>
    %get3A_169 = arith.constant 0 : index
    %get3A_170 = arith.constant 2 : index
    %get3A_171 = memref.load %arg8[%get3A_169, %get3A_170] : memref<1x3xf32, #tpu.memory_space<smem>>
    %add3A_172 = vector.broadcast %get3A_171 : f32 to vector<1x32xf32>
    %add3A_173 = arith.addf %add3A_168, %add3A_172 : vector<1x32xf32>
    %get3A_174 = arith.constant 0 : index
    %get3A_175 = arith.constant 0 : index
    %get3A_176 = vector.load %arg9[%get3A_174, %get3A_175] : memref<1x32xf32, #tpu.memory_space<vmem>>, vector<1x32xf32>
    %mul3A_177 = arith.constant 0.00999999977 : f32
    %mul3A_178 = vector.broadcast %mul3A_177 : f32 to vector<1x32xf32>
    %mul3A_179 = arith.mulf %mul3A_178, %add3A_173 : vector<1x32xf32>
    %add3A_180 = arith.addf %get3A_176, %mul3A_179 : vector<1x32xf32>
    %swap3A = arith.constant 0 : index
    %swap3A_181 = arith.constant 0 : index
    %swap3A_182 = vector.load %arg10[%swap3A, %swap3A_181] : memref<1x32xf32, #tpu.memory_space<vmem>>, vector<1x32xf32>
    tpu.vector_store %arg10[%swap3A, %swap3A_181], %add3A_180 {strides = array<i32>} : memref<1x32xf32, #tpu.memory_space<vmem>>, vector<1x32xf32>,
    %mul3A_183 = arith.mulf %add3A_173, %add3A_173 : vector<1x32xf32>
    %reduce_sum3A_184 = vector.shape_cast %mul3A_183 : vector<1x32xf32> to vector<1x1x32xf32>
    %reduce_sum3A_185 = arith.constant dense<0.000000e+00> : vector<1xf32>
    %reduce_sum3A_186 = vector.multi_reduction <add>, %reduce_sum3A_184, %reduce_sum3A_185 [1, 2] : vector<1x1x32xf32> to vector<1xf32>
    %reduce_sum3A_187 = vector.shape_cast %reduce_sum3A_186 : vector<1xf32> to vector<1x1x1xf32>
    %reduce_sum3A_188 = vector.extract %reduce_sum3A_187[0, 0, 0] : f32 from vector<1x1x1xf32>
    %sqrt3A = math.sqrt %reduce_sum3A_188 : f32
    %reshape3A = vector.broadcast %sqrt3A : f32 to vector<1x1xf32>
    %mul3A_189 = arith.constant 0.00999999977 : f32
    %mul3A_190 = vector.broadcast %mul3A_189 : f32 to vector<1x1xf32>
    %mul3A_191 = arith.mulf %mul3A_190, %reshape3A : vector<1x1xf32>
    %swap3A_192 = arith.constant 0 : index
    %swap3A_193 = arith.constant 0 : index
    %swap3A_194 = vector.load %arg11[%swap3A_192, %swap3A_193] : memref<1x1xf32, #tpu.memory_space<vmem>>, vector<1x1xf32>
    tpu.vector_store %arg11[%swap3A_192, %swap3A_193], %mul3A_191 {strides = array<i32>} : memref<1x1xf32, #tpu.memory_space<vmem>>, vector<1x1xf32>,
    return
  }
}

</mosaic_0001>

<sc_bundles>
// kernel: kernel.5.cloned.1.call-start
scs
__scs_entry_jumppad:
0x0: {  	(pc) =	sbr.rel $0x88, $3  }
0x1: {  	(tag) =	ssettag $0x0;
	lr =	simm.s32 $0x1  }
0x2: {  	[smem:$0x3F96] =	sst lr;
	_ =	strace $0xD0000000  }
0x3: {  	_ = 	snop  }
0x4: {  	_ = 	snop  }
0x5: {  	_ = 	snop  }
0x6: {  	_ = 	snop  }
0x7: {  	_ = 	snop  }
__scs_overlays_trampoline_lowered:
0x8: {  	[smem:$0x3FA5] =	sst s0  }
0x9: {  	[smem:$0x3FA6] =	sst s1  }
0xa: {  	[smem:$0x3FA7] =	sst s2  }
0xb: {  	[smem:$0x3FA8] =	sst s3  }
0xc: {  	[smem:$0x3FA9] =	sst s4  }
0xd: {  	[smem:$0x3FAA] =	sst s5  }
0xe: {  	[smem:$0x3FAB] =	sst s6  }
0xf: {  	[smem:$0x3FAC] =	sst s7  }
0x10: {  	[smem:$0x3FAD] =	sst s8  }
0x11: {  	[smem:$0x3FAE] =	sst s9;
	s0 =	simm.s32 @!p0 $0x0  }
0x12: {  	s1 =	sld [smem:$0x3F94];
	s0 =	simm.s32 @p0 $0x1  }
0x13: {  	[smem:$0x3FAF] =	sst s0;
	s0 =	simm.s32 @!p1 $0x0  }
0x14: {  	s2 =	sld [smem:$0x3F93];
	s0 =	simm.s32 @p1 $0x1  }
0x15: {  	[smem:$0x3FB0] =	sst s0;
	s0 =	simm.s32 @!p2 $0x0  }
0x16: {  	s3 =	sld [smem:$0x3FDB];
	s0 =	simm.s32 @p2 $0x1  }
0x17: {  	s4 =	simm.s32 $0x1BF5;
	[smem:$0x3FB2] =	sst s0  }
0x18: {  	s0 =	sld [smem:$0x3F95];
	_ =	swait.ge [sflag:s4], $0x0  }
0x19: {  	s7 =	sld [smem:$0x3F96]  }
0x1a: {  	s8 =	sadd.s32 $0xFFFFE003, lr  }
0x1b: {  	s9 =	sadd.s32 $0xFFFFFEF7, lr;
	s5 =	simm.s32 $0xFFFFFFFF;
	p2 =	slt.u32 s8, $0xFFFFF086  }
0x1c: {  	p1 =	slt.u32 s9, $0xF7A;
	s5 =	simm.s32 @!p2 $0x0  }
0x1d: {  	s5 =	simm.s32 @p1 $0x1;
	p0 =	seq.s32 s7, s2  }
0x1e: {  	s7 =	smul.u32 @!p0 $0xF7A, s2;
	p2 =	seq.s32 @!p0 s5, $0x0  }
0x1f: {  	s9 =	smul.u32 $0xF7A, s1;
	s8 =	simm.s32 @!p0 $0x1BF5;
	p2 =	por !p2, p0  }
0x20: {  	[sflag:s8] =	ssyncset.s32 @!p0 $0xFFFFF086;
	s6 =	sadd.s32 @!p0 s3, s7;
	s7 =	simm.s32 @!p0 $0x108  }
0x21: {  	s3 =	sadd.s32 s3, s9;
	s6 =	sadd.s32 @!p0 $0x88, s6;
	s7 =	simm.s32 @p2 $0x1082  }
0x22: {  	[simem:s7], [sflag:s8] =	dma.local @!p0 [hbm:s6], $0xF7A  }
0x23: {  	s9 =	sor.u32 $0xD0000000, s2;
	s6 =	simm.s32 $0x108;
	_ =	swait.ge @!p0 [sflag:s8], $0x0  }
0x24: {  	s3 =	sadd.s32 $0x88, s3;
	s6 =	simm.s32 @!p1 $0x1082;
	[sflag:s4] =	ssyncset.s32 $0xFFFFF086  }
0x25: {  	[simem:s6], [sflag:s4] =	dma.local [hbm:s3], $0xF7A  }
0x26: {  	[smem:$0x3F96] =	sst s1;
	(tag) =	ssettag s2;
	_ =	strace s9  }
0x27: {  	s1 =	sld [smem:$0x3FA6]  }
0x28: {  	s2 =	sld [smem:$0x3FA7]  }
0x29: {  	s4 =	sld [smem:$0x3FA9]  }
0x2a: {  	p0 =	seq.s32 s5, $0x0;
	s5 =	sld [smem:$0x3FAA]  }
0x2b: {  	s6 =	sld [smem:$0x3FAB]  }
0x2c: {  	s7 =	sld [smem:$0x3FAC]  }
0x2d: {  	s3 =	simm.s32 $0x108;
	s8 =	sld [smem:$0x3FAD]  }
0x2e: {  	s3 =	simm.s32 @!p0 $0x1082;
	s9 =	sld [smem:$0x3FAE]  }
0x2f: {  	lr =	sadd.s32 s0, s3;
	s0 =	sld [smem:$0x3FA5]  }
0x30: {  	s3 =	sld [smem:$0x3FA8]  }
0x31: {  	[smem:$0x3FB1] =	sst s10  }
0x32: {  	s10 =	sld [smem:$0x3FAF];
	_ =	sdelay $0x3  }
0x33: {  	p0 =	seq.s32 s10, $0x1;
	s10 =	sld [smem:$0x3FB1];
	_ =	sdelay $0x3  }
0x34: {  	[smem:$0x3FB1] =	sst s10  }
0x35: {  	s10 =	sld [smem:$0x3FB0];
	_ =	sdelay $0x3  }
0x36: {  	p1 =	seq.s32 s10, $0x1;
	s10 =	sld [smem:$0x3FB1];
	_ =	sdelay $0x3  }
0x37: {  	[smem:$0x3FB1] =	sst s10  }
0x38: {  	s10 =	sld [smem:$0x3FB2]  }
0x39: {  	_ = 	snop;
	(pc) =	sbr.ind lr, $3  }
0x3a: {  	_ = 	snop  }
0x3b: {  	_ = 	snop  }
0x3c: {  	p2 =	seq.s32 s10, $0x1;
	s10 =	sld [smem:$0x3FB1]  }
0x3d: {  	_ =	shalt  }
0x3e: {  	_ =	shalt  }
0x3f: {  	_ =	shalt  }
0x40: {  	_ =	shalt  }
0x41: {  	_ =	shalt  }
0x42: {  	_ =	shalt  }
0x43: {  	_ =	shalt  }
0x44: {  	_ =	shalt  }
0x45: {  	_ =	shalt  }
0x46: {  	_ =	shalt  }
0x47: {  	_ =	shalt  }
0x48: {  	_ =	shalt  }
0x49: {  	_ =	shalt  }
0x4a: {  	_ =	shalt  }
0x4b: {  	_ =	shalt  }
0x4c: {  	_ =	shalt  }
0x4d: {  	_ =	shalt  }
0x4e: {  	_ =	shalt  }
0x4f: {  	_ =	shalt  }
0x50: {  	_ =	shalt  }
0x51: {  	_ =	shalt  }
0x52: {  	_ =	shalt  }
0x53: {  	_ =	shalt  }
0x54: {  	_ =	shalt  }
0x55: {  	_ =	shalt  }
0x56: {  	_ =	shalt  }
0x57: {  	_ =	shalt  }
0x58: {  	_ =	shalt  }
0x59: {  	_ =	shalt  }
0x5a: {  	_ =	shalt  }
0x5b: {  	_ =	shalt  }
0x5c: {  	_ =	shalt  }
0x5d: {  	_ =	shalt  }
0x5e: {  	_ =	shalt  }
0x5f: {  	_ =	shalt  }
0x60: {  	_ =	shalt  }
0x61: {  	_ =	shalt  }
0x62: {  	_ =	shalt  }
0x63: {  	_ =	shalt  }
0x64: {  	_ =	shalt  }
0x65: {  	_ =	shalt  }
0x66: {  	_ =	shalt  }
0x67: {  	_ =	shalt  }
0x68: {  	_ =	shalt  }
0x69: {  	_ =	shalt  }
0x6a: {  	_ =	shalt  }
0x6b: {  	_ =	shalt  }
0x6c: {  	_ =	shalt  }
0x6d: {  	_ =	shalt  }
0x6e: {  	_ =	shalt  }
0x6f: {  	_ =	shalt  }
0x70: {  	_ =	shalt  }
0x71: {  	_ =	shalt  }
0x72: {  	_ =	shalt  }
0x73: {  	_ =	shalt  }
0x74: {  	_ =	shalt  }
0x75: {  	_ =	shalt  }
0x76: {  	_ =	shalt  }
0x77: {  	_ =	shalt  }
0x78: {  	_ =	shalt  }
0x79: {  	_ =	shalt  }
0x7a: {  	_ =	shalt  }
0x7b: {  	_ =	shalt  }
0x7c: {  	_ =	shalt  }
0x7d: {  	_ =	shalt  }
0x7e: {  	_ =	shalt  }
0x7f: {  	_ =	shalt  }
0x80: {  	_ =	shalt  }
0x81: {  	_ =	shalt  }
0x82: {  	_ =	shalt  }
0x83: {  	_ =	shalt  }
0x84: {  	_ =	shalt  }
0x85: {  	_ =	shalt  }
0x86: {  	_ =	shalt  }
0x87: {  	_ =	shalt  }
.Lfunc_end0:
.L_simem_size_0:
called_computation_lowered:
.L_overlay_start_0:
0x88: {  	s2 =	sld [smem:$0x3FD9]  }
0x89: {  	s3 =	sld [smem:$0x3FFE];
	_ =	sdelay $0x1  }
0x8a: {  	s1 =	srdreg.scid  }
0x8b: {  	s0 =	sand.u32 $0x1, s1  }
0x8c: {  	s17 =	sshll.u32 s0, $0xA;
	s2 =	sadd.s32 s3, s2  }
0x8d: {  	s2 =	sadd.s32 s2, s17  }
0x8e: {  	[smem:$0x3FBD] =	sst s2  }
0x8f: {  	_ = 	snop  }
0x90: {  	s2 =	sld [smem:$0x3FC8];
	(tm) =	ssettm $0x1  }
0x91: {  	s18 =	sld [smem:$0x3FFB];
	_ =	sdelay $0x3  }
0x92: {  	_ =	strace s18  }
0x93: {  	s3 =	sld [smem:$0x3FFC];
	_ =	sdelay $0x3  }
0x94: {  	_ =	strace s3  }
0x95: {  	s3 =	sld [smem:$0x3FFD];
	_ =	sdelay $0x3  }
0x96: {  	_ =	strace s3  }
0x97: {  	_ =	strace $0x8FFFFFFF  }
0x98: {  	s19 =	sld [smem:$0x3FDB];
	_ =	sdelay $0x1  }
0x99: {  	s4 =	simm.s32 $_scs_section_size  }
0x9a: {  	s5 =	simm.s32 $_size__tile_overlayer_lowered;
	s6 =	simm.s32 $_tile_overlayer_lowered  }
0x9b: {  	s22 =	simm.s32 $0x1BFF;
	s21 =	sshll.u32 s6, $0x1;
	s3 =	sadd.s32 s4, s19  }
0x9c: {  	s7 =	simm.s32 $0x0;
	s20 =	sshll.u32 s5, $0x1;
	s5 =	sadd.s32 s21, s3  }
0x9d: {  	[timem:s7], [sflag:s22] =	dma.local [hbm:s5], s20  }
0x9e: {  	_ =	swait.ge [sflag:s22], s20  }
0x9f: {  	s4 =	ssub.s32 $0x0, s20;
	[sflag:s22] =	ssyncset.done $0x0  }
0xa0: {  	[sflag:s22] =	ssyncadd.s32 s4;
	_ =	sdelay $0x1  }
0xa1: {  	s23 =	simm.s32 $0x1B8B  }
0xa2: {  	_ =	swait.ge [sflag:s23], $0x1  }
0xa3: {  	[sflag:s23] =	ssyncset.done $0x0  }
0xa4: {  	s25 =	simm.s32 $0x1B8E;
	s24 =	sld [smem:$0x3FFE];
	[sflag:s23] =	ssyncadd.s32 $0xFFFFFFFF  }
0xa5: {  	s26 =	simm.s32 $execute0_lowered;
	[smem:$0x3FD2] =	sst s25  }
0xa6: {  	s5 =	sshll.u32 s26, $0x1;
	_ =	strace $0x80000046;
	[dreg:$0x1] =	wrdreg $0xFFFFFFFF  }
0xa7: {  	s28 =	simm.s32 $_size_execute0_lowered;
	s3 =	sadd.s32 s3, s5;
	[dreg:$0x0] =	wrdreg $0x0  }
0xa8: {  	s5 =	sshll.u32 s28, $0x1;
	[dreg:$0x2] =	wrdreg s3  }
0xa9: {  	[dreg:$0x3] =	wrdreg s5  }
0xaa: {  	[dreg:$0x4] =	wrdreg $0xC0  }
0xab: {  	_ =	task [dreg:s7], $0x5FFFF  }
0xac: {  	[dreg:$0x1] =	wrdreg $0xFFFFFFFF  }
0xad: {  	[dreg:$0x0] =	wrdreg $0x60  }
0xae: {  	[dreg:$0x2] =	wrdreg s2  }
0xaf: {  	[dreg:$0x3] =	wrdreg s24  }
0xb0: {  	[dreg:$0x4] =	wrdreg $0x9  }
0xb1: {  	_ =	task.clear_ibuf [dreg:s7], $0x5FFFF;
	_ =	strace $0x90000046  }
0xb2: {  	s29 =	simm.s32 $0x9;
	_ =	strace $0x80000048  }
0xb3: {  	_ =	swait.ge [sflag:s29], $0x1  }
0xb4: {  	[sflag:s29] =	ssyncadd.s32 $0xFFFFFFFF  }
0xb5: {  	_ =	strace $0x90000048  }
0xb6: {  	_ =	sfence  }
0xb7: {  	s30 =	sld [smem:$0x0];
	_ =	sdelay $0x2  }
0xb8: {  	s31 =	sshll.u32 s1, $0xD;
	s1 =	sshrl.u32 s1, $0x2  }
0xb9: {  	s3 =	sand.u32 $0x4000, s31;
	s1 =	sadd.s32 s1, s30  }
0xba: {  	s0 =	sor.u32 s3, s0;
	s1 =	sshll.u32 s1, $0x11  }
0xbb: {  	s0 =	sor.u32 s1, s0  }
0xbc: {  	s0 =	sadd.s32 $0x8F2B, s0  }
0xbd: {  	[sflag:s0] =	ssyncadd.remote.s32 $0x1  }
0xbe: {  	_ =	sfence.sel $0xFFFF  }
0xbf: {  	[dreg:$0x0] =	wrdreg $0xFFFFFFFF;
	(pc) =	sbr.abs _section_cstart, $3  }
0xc0: {  	[dreg:$0x1] =	wrdreg $0xFFFFFFFF  }
0xc1: {  	_ =	task.clear_ibuf [dreg:s7], $0x2FFFF;
	_ =	strace $0x9FFFFFFF  }
0xc2: {  	(tm) =	ssettm $0x7FFFFFFF  }
0xc3: {  	_ =	shalt  }
tec
execute0_lowered:
.L_overlay_start_1:
0x0: {  	(tag) =	ssettag $0x1  }
0x1: {  	s2 =	rddreg [dreg:$0x0]  }
0x2: {  	s8 =	rddreg [dreg:$0x1]  }
0x3: {  	s0 =	rddreg [dreg:$0x2];
	s4 =	srdreg.scid  }
0x4: {  	s1 =	stileid.u32;
	s3 =	simm.s32 $0x0;
	s11 =	simm.s32 $0x80  }
0x5: {  	s12 =	simm.s32 $0x400;
	s13 =	simm.s32 $0x2400;
	s14 =	simm.s32 $0x0  }
0x6: {  	s4 =	sand.u32 $0x1, s4;
	s5 =	sshll.u32 s1, $0x1;
	[smem:$0x7FF] =	sst s3  }
0x7: {  	s5 =	sor.u32 s4, s5;
	_ =	strace $0x80000047;
	s6 =	ssub.s32 $0x2, s4  }
0x8: {  	s7 =	smul.u32 $0x28, s5;
	s5 =	sshll.u32 s5, $0xC;
	s9 =	sshrl.u32 s6, $0x1  }
0x9: {  	s4 =	sadd.s32 $0x2000, s8;
	s10 =	sadd.s32 s5, s8;
	s9 =	ssub.s32 s6, s9  }
0xa: {  	s8 =	sadd.s32 $0x2040, s8;
	s5 =	sadd.s32 $0x1B00, s7;
	s6 =	sadd.s32 $0x2200, s10  }
0xb: {  	v0 =	vimm.f32 $0.0e+00;
	v1 =	vlaneseq.u32;
	s7 =	smax.u32 s9, $0x1;
	s9 =	simm.s32 $0x200;
	s10 =	simm.s32 $0x1  }
.LBB2_1:
0xc: {  	[tilespmem:s3], [sflag:$0x1] =	stream.linear.gather [hbm4b:s4+s3], $0x180, $0x38;
	[tilespmem:$0xA400] =	vst v63  }
0xd: {  	_ = 	snop  }
0xe: {  	[tilespmem:s9], [sflag:$0x1] =	stream.linear.gather [hbm4b:s8+s3], $0x180, $0x38;
	[tilespmem:$0xA400] =	vst v63  }
0xf: {  	_ =	swait.ge [sflag:s10], $0x300  }
0x10: {  	s15 =	sand.u32 $0x70, s3;
	s16 =	sand.u32 $0x7E00, s3;
	[sflag:s10] =	ssyncset.done $0x0  }
0x11: {  	s16 =	sor.u32 s15, s16;
	[sflag:s10] =	ssyncadd.s32 $0xFFFFFD00  }
0x12: {  	[tilespmem:s16+$0x2500] =	vst v0  }
0x13: {  	[tilespmem:s16+$0x2400] =	vst v0  }
0x14: {  	s15 =	simm.s32 $0x10;
	[tilespmem:s16+$0x2480] =	vst v0;
	s16 =	simm.s32 $0x0  }
.LBB2_2:
0x15: {  	s17 =	sand.u32 $0x70, s15;
	s16 =	sadd.s32 $0x40, s16;
	p0 =	sne.s32 s15, $0x1FF0  }
.Ltmp0:
0x16: {  	s15 =	sadd.s32 $0x10, s15;
	s18 =	sand.u32 $0x7E00, s16;
	(pc) =	sbr.rel @p0 .LBB2_2-.Ltmp0, $4  }
0x17: {  	s17 =	sor.u32 s17, s18  }
0x18: {  	[tilespmem:s17+$0x2500] =	vst v0  }
0x19: {  	[tilespmem:s17+$0x2400] =	vst v0  }
0x1a: {  	[tilespmem:s17+$0x2480] =	vst v0  }
0x1b: {  	v2 =	vld [tilespmem:$0x0]  }
0x1c: {  	v3 =	vld [tilespmem:$0x80]  }
0x1d: {  	v7 =	vld [tilespmem:$0x300]  }
0x1e: {  	v4 =	vld [tilespmem:$0x100]  }
0x1f: {  	v6 =	vld [tilespmem:$0x280]  }
0x20: {  	v5 =	vld [tilespmem:$0x200];
	s15 =	simm.s32 $0x0  }
.LBB2_4:
0x21: {  	s16 =	sadd.s32 s15, s5;
	s17 =	sshll.u32 s15, $0x4  }
0x22: {  	s18 =	sshll.u32 s16, $0xA;
	s17 =	sand.u32 $0x70, s17  }
0x23: {  	s18 =	sand.u32 $0xFFFE000, s18;
	s17 =	sadd.s32 s2, s17  }
0x24: {  	s17 =	sadd.s32 s18, s17  }
0x25: {  	[tilespmem:s12], [sflag:$0x1] =	stream.strided.gather [hbm4b:s17+s11], $0x2000, s12, s11, $0x38;
	[tilespmem:$0xA400] =	vst v63  }
0x26: {  	_ =	swait.ge [sflag:s10], $0x2000  }
0x27: {  	[sflag:s10] =	ssyncset.done $0x0  }
0x28: {  	s31 =	simm.s32 $0x440;
	[sflag:s10] =	ssyncadd.s32 $0xFFFFE000  }
0x29: {  	v8 =	vld [tilespmem:s31+$0x30]  }
0x2a: {  	v9 =	vld [tilespmem:s31+$0xFFFFFFC0];
	_ =	sdelay $0x2  }
0x2b: {  	v10 =	vld [tilespmem:s31+$0xFFFFFFF0]  }
0x2c: {  	(erf) = vrcp.f32 v8  }
0x2d: {  	(erf) = vrcp.f32 v9  }
0x2e: {  	v11 =	vld [tilespmem:s31+$0x10]  }
0x2f: {  	v14 =	vld [tilespmem:s31+$0x20]  }
0x30: {  	v12 =	vld [tilespmem:s31+$0xFFFFFFE0];
	(erf) = vrcp.f32 v10  }
0x31: {  	v13 =	vld [tilespmem:s31+$0xFFFFFFD0];
	_ =	sdelay $0x1  }
0x32: {  	vm3 =	vlt.f32 v11, $5.000000070e-02  }
0x33: {  	vm0 =	vlt.f32 v8, $5.000000070e-02;
	vm2 =	vlt.f32 v14, $5.000000070e-02;
	(erf) = vrcp.f32 v11  }
0x34: {  	vm1 =	vlt.f32 v12, $5.000000070e-02;
	vm5 =	vlt.f32 v9, $5.000000070e-02;
	(erf) = vrcp.f32 v12;
	v8 =	vpop (erf)  }
0x35: {  	vm6 =	vlt.f32 v10, $5.000000070e-02;
	(erf) = vrcp.f32 v13;
	v9 =	vpop (erf);
	v8 =	vnsel vm0, $0x5F0AC723, v8  }
0x36: {  	v9 =	vnsel vm5, $0x5F0AC723, v9;
	v11 =	vsub.f32 v8, v4;
	v12 =	vsub.f32 v8, v2  }
0x37: {  	(erf) = vrcp.f32 v14;
	v14 =	vsub.f32 v8, v3;
	v10 =	vsub.f32 v9, v4  }
0x38: {  	vm4 =	vlt.f32 v13, $5.000000070e-02;
	v16 =	vpop (erf);
	v13 =	vsub.f32 v9, v3;
	v9 =	vsub.f32 v9, v2  }
0x39: {  	v16 =	vnsel vm6, $0x5F0AC723, v16;
	v11 =	vmul.f32 v11, v11;
	v12 =	vmul.f32 v12, v12  }
0x3a: {  	v15 =	vld [tilespmem:s31+$0x0];
	v18 =	vsub.f32 v16, v2;
	v14 =	vmul.f32 v14, v14;
	v10 =	vmul.f32 v10, v10  }
0x3b: {  	v19 =	vsub.f32 v16, v3;
	v8 =	vmul.f32 v13, v13;
	v9 =	vmul.f32 v9, v9  }
0x3c: {  	v11 =	vmul.f32 v11, v7;
	v14 =	vmul.f32 v14, v6  }
0x3d: {  	v18 =	vmul.f32 v18, v18;
	v19 =	vmul.f32 v19, v19  }
0x3e: {  	v13 =	vpop (erf);
	v10 =	vmul.f32 v10, v7;
	v9 =	vmul.f32 v9, v5  }
0x3f: {  	vm15 =	vlt.f32 v15, $5.000000070e-02;
	v17 =	vpop (erf);
	v11 =	vmul.f32 $1.442695020e+00, v11;
	v22 =	vmul.f32 v18, v5  }
0x40: {  	v16 =	vsub.f32 v16, v4;
	v24 =	vmul.f32 v19, v6;
	v20 =	vpop (erf);
	(erf) = vrcp.f32 v15  }
0x41: {  	v13 =	vnsel vm3, $0x5F0AC723, v13;
	v15 =	vmul.f32 $1.442695020e+00, v10;
	v10 =	vmul.f32 $1.442695020e+00, v14  }
0x42: {  	v21 =	vsub.f32 v13, v2;
	v9 =	vmul.f32 $1.442695020e+00, v9;
	v17 =	vnsel vm1, $0x5F0AC723, v17  }
0x43: {  	v14 =	vpop (erf);
	(erf) = vpow2.f32 v11;
	v19 =	vsub.f32 v17, v3;
	v24 =	vmul.f32 $1.442695020e+00, v24  }
0x44: {  	v63 =	vmul.f32 $1.442695020e+00, v22;
	v11 =	vnsel vm2, $0x5F0AC723, v14;
	v14 =	vmul.f32 v21, v21  }
0x45: {  	v21 =	vsub.f32 v13, v4;
	(erf) = vpow2.f32 v15;
	v15 =	vmul.f32 v16, v16  }
0x46: {  	v16 =	vsub.f32 v11, v3;
	(erf) = vpow2.f32 v9;
	v25 =	vmul.f32 v19, v19  }
0x47: {  	v20 =	vnsel vm4, $0x5F0AC723, v20;
	v19 =	vmul.f32 v12, v5;
	v18 =	vmul.f32 v21, v21  }
0x48: {  	v27 =	vsub.f32 v20, v3;
	v14 =	vmul.f32 v14, v5;
	v23 =	vmul.f32 v16, v16  }
0x49: {  	v21 =	vsub.f32 v17, v2;
	v19 =	vmul.f32 $1.442695020e+00, v19;
	v16 =	vmul.f32 v18, v7  }
0x4a: {  	v9 =	vsub.f32 v20, v2;
	v26 =	vmul.f32 $1.442695020e+00, v14;
	v18 =	vmul.f32 v23, v6  }
0x4b: {  	v17 =	vsub.f32 v17, v4;
	v14 =	vmul.f32 v21, v21;
	v21 =	vmul.f32 v15, v7  }
0x4c: {  	v20 =	vsub.f32 v20, v4;
	(erf) = vpow2.f32 v19;
	v23 =	vpop (erf);
	v15 =	vmul.f32 $1.442695020e+00, v18  }
0x4d: {  	v19 =	vmul.f32 v17, v17;
	v12 =	vnsel vm15, $0x5F0AC723, v23;
	v23 =	vmul.f32 v9, v9  }
0x4e: {  	v17 =	vmul.f32 v27, v27;
	v18 =	vsub.f32 v11, v4;
	(erf) = vpow2.f32 v15  }
0x4f: {  	v20 =	vmul.f32 v20, v20;
	v21 =	vmul.f32 $1.442695020e+00, v21  }
0x50: {  	v17 =	vmul.f32 v17, v6;
	v9 =	vsub.f32 v12, v4;
	v18 =	vmul.f32 v18, v18  }
0x51: {  	s18 =	simm.s32 $0x2570;
	v15 =	vmul.f32 v23, v5;
	v23 =	vpop (erf);
	(erf) = vpow2.f32 v26  }
0x52: {  	v17 =	vmul.f32 $1.442695020e+00, v17;
	v9 =	vmul.f32 v9, v9;
	[tilespmem:s18+$0x0] =	vst.add.f32.msk $0xffff, v23;
	v23 =	vpop (erf)  }
0x53: {  	v22 =	vmul.f32 $1.442695020e+00, v15;
	v15 =	vsub.f32 v13, v3;
	(erf) = vpow2.f32 v63;
	[tilespmem:s18+$0xFFFFFF90] =	vst.add.f32.msk $0xffff, v23;
	v23 =	vpop (erf)  }
0x54: {  	s19 =	simm.s32 $0x0;
	s20 =	simm.s32 $0x4C0;
	s17 =	simm.s32 $0x2570;
	v13 =	vsub.f32 v12, v3;
	(erf) = vpow2.f32 v24;
	[tilespmem:s18+$0xFFFFFE90] =	vst.add.f32.msk $0xffff, v23;
	v23 =	vmul.f32 v25, v6  }
.LBB2_5:
0x55: {  	v24 =	vld [tilespmem:s20+$0xFFFFFFD0];
	s19 =	sadd.s32 $0x8, s19;
	v16 =	vmul.f32 $1.442695020e+00, v16;
	s18 =	sadd.s32 $0x200, s18;
	(erf) = vpow2.f32 v22;
	v22 =	vpop (erf)  }
0x56: {  	v19 =	vmul.f32 v19, v7;
	v15 =	vmul.f32 v15, v15;
	v25 =	vld [tilespmem:s20+$0xFFFFFFE0];
	p0 =	slt.u32 s19, $0x1F8  }
0x57: {  	v20 =	vmul.f32 v20, v7;
	v23 =	vmul.f32 $1.442695020e+00, v23;
	v26 =	vld [tilespmem:s20+$0x30];
	v27 =	vpop (erf)  }
0x58: {  	v15 =	vmul.f32 v15, v6;
	[tilespmem:s17+$0xFFFFFF00] =	vst.add.f32.msk $0xffff, v22;
	(erf) = vpow2.f32 v21  }
0x59: {  	v11 =	vsub.f32 v11, v2;
	v18 =	vmul.f32 v18, v7;
	v19 =	vmul.f32 $1.442695020e+00, v19;
	[tilespmem:s17+$0xFFFFFF70] =	vst.add.f32.msk $0xffff, v27  }
0x5a: {  	v28 =	vmul.f32 $1.442695020e+00, v15;
	v21 =	vld [tilespmem:s20+$0x20];
	v22 =	vpop (erf);
	(erf) = vpow2.f32 v16  }
0x5b: {  	v11 =	vmul.f32 v11, v11;
	(erf) = vpow2.f32 v10  }
0x5c: {  	v18 =	vmul.f32 $1.442695020e+00, v18;
	v16 =	vld [tilespmem:s20+$0xFFFFFFC0];
	v27 =	vpop (erf);
	(erf) = vpow2.f32 v28  }
0x5d: {  	v8 =	vmul.f32 v8, v6;
	v10 =	vld [tilespmem:s20+$0x0];
	(erf) = vpow2.f32 v19;
	v15 =	vpop (erf)  }
0x5e: {  	v14 =	vmul.f32 v14, v5;
	v11 =	vmul.f32 v11, v5;
	v19 =	vld [tilespmem:s20+$0xFFFFFFF0];
	v28 =	vpop (erf)  }
0x5f: {  	v20 =	vmul.f32 $1.442695020e+00, v20;
	(erf) = vrcp.f32 v26;
	[tilespmem:s17+$0xFFFFFF40] =	vst.add.f32.msk $0xffff, v15  }
0x60: {  	v14 =	vmul.f32 $1.442695020e+00, v14;
	[tilespmem:s17+$0xFFFFFEE0] =	vst.add.f32.msk $0xffff, v22;
	(erf) = vpow2.f32 v17  }
0x61: {  	v12 =	vsub.f32 v12, v2;
	v22 =	vmul.f32 $1.442695020e+00, v8;
	v15 =	vld [tilespmem:s20+$0x10];
	(erf) = vrcp.f32 v16;
	v17 =	vpop (erf)  }
0x62: {  	v11 =	vmul.f32 $1.442695020e+00, v11;
	[tilespmem:s17+$0xFFFFFFC0] =	vst.add.f32.msk $0xffff, v17;
	(erf) = vpow2.f32 v14  }
0x63: {  	v12 =	vmul.f32 v12, v12;
	[tilespmem:s17+$0xFFFFFEA0] =	vst.add.f32.msk $0xffff, v28;
	(erf) = vpow2.f32 v22;
	v8 =	vpop (erf)  }
0x64: {  	v13 =	vmul.f32 v13, v13;
	[tilespmem:s17+$0xFFFFFFE0] =	vst.add.f32.msk $0xffff, v8;
	(erf) = vpow2.f32 v23;
	v8 =	vpop (erf)  }
0x65: {  	v12 =	vmul.f32 v12, v5;
	(erf) = vrcp.f32 v19;
	[tilespmem:s17+$0xFFFFFF80] =	vst.add.f32.msk $0xffff, v8;
	v8 =	vpop (erf)  }
0x66: {  	v13 =	vmul.f32 v13, v6;
	(erf) = vrcp.f32 v15;
	v14 =	vpop (erf)  }
0x67: {  	vm6 =	vlt.f32 v26, $5.000000070e-02;
	vm3 =	vlt.f32 v15, $5.000000070e-02;
	(erf) = vrcp.f32 v25;
	[tilespmem:s17+$0xFFFFFFB0] =	vst.add.f32.msk $0xffff, v14  }
0x68: {  	vm4 =	vlt.f32 v24, $5.000000070e-02;
	vm2 =	vlt.f32 v21, $5.000000070e-02;
	v14 =	vpop (erf);
	[tilespmem:s17+$0xFFFFFF60] =	vst.add.f32.msk $0xffff, v8;
	(erf) = vpow2.f32 v18  }
0x69: {  	vm1 =	vlt.f32 v25, $5.000000070e-02;
	vm5 =	vlt.f32 v19, $5.000000070e-02;
	v8 =	vmul.f32 $1.442695020e+00, v12;
	v12 =	vpop (erf)  }
0x6a: {  	v13 =	vmul.f32 $1.442695020e+00, v13;
	vm7 =	vlt.f32 v16, $5.000000070e-02;
	v15 =	vpop (erf);
	[tilespmem:s17+$0xFFFFFEC0] =	vst.add.f32.msk $0xffff, v27;
	(erf) = vpow2.f32 v20  }
0x6b: {  	vm0 =	vlt.f32 v10, $5.000000070e-02;
	v14 =	vnsel vm6, $0x5F0AC723, v14;
	(erf) = vrcp.f32 v24;
	[tilespmem:s17+$0xFFFFFF20] =	vst.add.f32.msk $0xffff, v12;
	v12 =	vpop (erf)  }
0x6c: {  	v16 =	vsub.f32 v14, v2;
	v15 =	vnsel vm7, $0x5F0AC723, v15;
	[tilespmem:s17+$0xFFFFFEB0] =	vst.add.f32.msk $0xffff, v12;
	v12 =	vpop (erf);
	(erf) = vpow2.f32 v13  }
0x6d: {  	v9 =	vmul.f32 v9, v7;
	v17 =	vsub.f32 v14, v3;
	v13 =	vsub.f32 v15, v4;
	[tilespmem:s17+$0xFFFFFF10] =	vst.add.f32.msk $0xffff, v12;
	v12 =	vpop (erf)  }
0x6e: {  	v14 =	vsub.f32 v14, v4;
	v18 =	vsub.f32 v15, v2;
	v19 =	vpop (erf);
	(erf) = vrcp.f32 v21;
	[tilespmem:s17+$0xFFFFFF30] =	vst.add.f32.msk $0xffff, v12  }
0x6f: {  	v22 =	vsub.f32 v15, v3;
	v13 =	vmul.f32 v13, v13;
	v15 =	vpop (erf);
	(erf) = vpow2.f32 v8  }
0x70: {  	v9 =	vmul.f32 $1.442695020e+00, v9;
	v14 =	vmul.f32 v14, v14;
	v20 =	vpop (erf)  }
0x71: {  	v21 =	vmul.f32 v16, v16;
	v8 =	vmul.f32 v22, v22;
	v12 =	vpop (erf)  }
0x72: {  	v14 =	vmul.f32 v14, v7;
	v16 =	vnsel vm5, $0x5F0AC723, v19;
	[tilespmem:s17+$0xFFFFFFF0] =	vst.add.f32.msk $0xffff, v12;
	(erf) = vpow2.f32 v11  }
0x73: {  	v23 =	vmul.f32 v17, v17;
	v11 =	vmul.f32 v18, v18;
	v12 =	vsub.f32 v16, v2;
	v18 =	vpop (erf)  }
0x74: {  	v19 =	vsub.f32 v16, v3;
	v14 =	vmul.f32 $1.442695020e+00, v14;
	v22 =	vpop (erf);
	(erf) = vpow2.f32 v9  }
0x75: {  	v9 =	vmul.f32 v13, v7;
	v13 =	vsub.f32 v16, v4;
	v16 =	vmul.f32 v23, v6;
	[tilespmem:s17+$0xFFFFFFA0] =	vst.add.f32.msk $0xffff, v18;
	v17 =	vpop (erf)  }
0x76: {  	v18 =	vmul.f32 v11, v5;
	v22 =	vnsel vm4, $0x5F0AC723, v22;
	(erf) = vrcp.f32 v10;
	[tilespmem:s17+$0xFFFFFF50] =	vst.add.f32.msk $0xffff, v17  }
0x77: {  	v9 =	vmul.f32 $1.442695020e+00, v9;
	v17 =	vnsel vm3, $0x5F0AC723, v15;
	v10 =	vmul.f32 $1.442695020e+00, v16;
	v11 =	vpop (erf)  }
0x78: {  	v12 =	vmul.f32 v12, v12;
	v16 =	vsub.f32 v17, v2;
	(erf) = vpow2.f32 v14;
	v14 =	vpop (erf)  }
0x79: {  	v19 =	vmul.f32 v19, v19;
	v15 =	vsub.f32 v17, v3;
	v11 =	vnsel vm2, $0x5F0AC723, v11;
	[tilespmem:s17+$0xFFFFFED0] =	vst.add.f32.msk $0xffff, v14  }
0x7a: {  	v14 =	vmul.f32 v16, v16;
	v16 =	vsub.f32 v17, v4;
	(erf) = vpow2.f32 v9  }
0x7b: {  	v17 =	vmul.f32 v13, v13;
	v13 =	vsub.f32 v11, v3;
	v9 =	vnsel vm1, $0x5F0AC723, v20;
	v20 =	vpop (erf)  }
0x7c: {  	v24 =	vmul.f32 v12, v5;
	v18 =	vmul.f32 $1.442695020e+00, v18;
	v23 =	vsub.f32 v9, v2;
	[tilespmem:s17+$0xFFFFFEF0] =	vst.add.f32.msk $0xffff, v20  }
0x7d: {  	v12 =	vsub.f32 v9, v3;
	v16 =	vmul.f32 v16, v16;
	v27 =	vmul.f32 v13, v13;
	v20 =	vpop (erf)  }
0x7e: {  	v26 =	vmul.f32 v19, v6;
	v25 =	vsub.f32 v9, v4;
	(erf) = vpow2.f32 v18;
	[tilespmem:s17+$0xFFFFFFD0] =	vst.add.f32.msk $0xffff, v20;
	s17 =	smov.u32 s18  }
0x7f: {  	v9 =	vsub.f32 v22, v2;
	v16 =	vmul.f32 v16, v7;
	v18 =	vmul.f32 v27, v6;
	v13 =	vpop (erf)  }
0x80: {  	v14 =	vmul.f32 v14, v5;
	v20 =	vsub.f32 v22, v3;
	v27 =	vmul.f32 v12, v12  }
0x81: {  	v19 =	vmul.f32 v21, v5;
	v22 =	vsub.f32 v22, v4;
	v12 =	vnsel vm0, $0x5F0AC723, v13;
	v13 =	vpop (erf)  }
0x82: {  	v21 =	vmul.f32 v9, v9;
	v28 =	vmul.f32 $1.442695020e+00, v14;
	v9 =	vsub.f32 v12, v4;
	[tilespmem:s18+$0x0] =	vst.add.f32.msk $0xffff, v13  }
0x83: {  	v19 =	vmul.f32 $1.442695020e+00, v19;
	v14 =	vmul.f32 v23, v23;
	v13 =	vsub.f32 v12, v3;
	v23 =	vpop (erf)  }
0x84: {  	[tilespmem:s18+$0xFFFFFF90] =	vst.add.f32.msk $0xffff, v23;
	v23 =	vmul.f32 v17, v7;
	v17 =	vmul.f32 $1.442695020e+00, v18;
	v18 =	vsub.f32 v11, v4  }
0x85: {  	v9 =	vmul.f32 v9, v9;
	(erf) = vpow2.f32 v19  }
0x86: {  	v19 =	vmul.f32 v25, v25;
	v18 =	vmul.f32 v18, v18  }
0x87: {  	v25 =	vmul.f32 v20, v20;
	v20 =	vpop (erf);
	(erf) = vpow2.f32 v17  }
0x88: {  	v17 =	vmul.f32 v21, v5;
	[tilespmem:s18+$0xFFFFFE90] =	vst.add.f32.msk $0xffff, v20;
	v20 =	vmul.f32 v22, v22  }
.Ltmp1:
0x89: {  	v21 =	vmul.f32 v25, v6;
	v25 =	vmul.f32 $1.442695020e+00, v26;
	(pc) =	sbr.rel @p0 .LBB2_5-.Ltmp1, $4  }
0x8a: {  	v24 =	vmul.f32 $1.442695020e+00, v24;
	(erf) = vpow2.f32 v28  }
0x8b: {  	v22 =	vmul.f32 $1.442695020e+00, v17;
	v17 =	vmul.f32 $1.442695020e+00, v21  }
0x8c: {  	v21 =	vmul.f32 $1.442695020e+00, v23;
	(erf) = vpow2.f32 v24  }
0x8d: {  	s20 =	sadd.s32 $0x80, s20;
	v23 =	vmul.f32 v27, v6;
	(erf) = vpow2.f32 v25  }
0x8e: {  	v16 =	vmul.f32 $1.442695020e+00, v16  }
0x8f: {  	(erf) = vpow2.f32 v22;
	v19 =	vmul.f32 v19, v7  }
0x90: {  	v15 =	vmul.f32 v15, v15;
	v20 =	vmul.f32 v20, v7  }
0x91: {  	v18 =	vmul.f32 v18, v7;
	v14 =	vmul.f32 v14, v5  }
0x92: {  	v8 =	vmul.f32 v8, v6;
	v9 =	vmul.f32 v9, v7  }
0x93: {  	v43 =	vmul.f32 $1.442695020e+00, v23;
	v15 =	vmul.f32 v15, v6  }
0x94: {  	v11 =	vsub.f32 v11, v2;
	(erf) = vpow2.f32 v21;
	v19 =	vmul.f32 $1.442695020e+00, v19  }
0x95: {  	(erf) = vpow2.f32 v16;
	v15 =	vmul.f32 $1.442695020e+00, v15  }
0x96: {  	v11 =	vmul.f32 v11, v11;
	(erf) = vpow2.f32 v10  }
0x97: {  	v45 =	vpop (erf);
	v44 =	vmul.f32 $1.442695020e+00, v18;
	(erf) = vpow2.f32 v15  }
0x98: {  	v12 =	vsub.f32 v12, v2;
	v46 =	vpop (erf);
	v14 =	vmul.f32 $1.442695020e+00, v14;
	(erf) = vpow2.f32 v19  }
0x99: {  	v8 =	vmul.f32 $1.442695020e+00, v8;
	v47 =	vpop (erf);
	(erf) = vpow2.f32 v17  }
0x9a: {  	[tilespmem:s17+$0xFFFFFF00] =	vst.add.f32.msk $0xffff, v45;
	v12 =	vmul.f32 v12, v12;
	v48 =	vpop (erf);
	(erf) = vpow2.f32 v14  }
0x9b: {  	[tilespmem:s17+$0xFFFFFF70] =	vst.add.f32.msk $0xffff, v46;
	v49 =	vpop (erf);
	(erf) = vpow2.f32 v8;
	v8 =	vmul.f32 v13, v13  }
0x9c: {  	v52 =	vmul.f32 $1.442695020e+00, v20;
	v12 =	vmul.f32 v12, v5;
	[tilespmem:s17+$0xFFFFFEE0] =	vst.add.f32.msk $0xffff, v47;
	v50 =	vpop (erf)  }
0x9d: {  	v11 =	vmul.f32 v11, v5;
	[tilespmem:s17+$0xFFFFFEC0] =	vst.add.f32.msk $0xffff, v48;
	v51 =	vpop (erf);
	v8 =	vmul.f32 v8, v6  }
0x9e: {  	v12 =	vmul.f32 $1.442695020e+00, v12;
	[tilespmem:s17+$0xFFFFFF40] =	vst.add.f32.msk $0xffff, v49;
	(erf) = vpow2.f32 v43;
	v53 =	vpop (erf)  }
0x9f: {  	[tilespmem:s17+$0xFFFFFEA0] =	vst.add.f32.msk $0xffff, v50;
	(erf) = vpow2.f32 v44;
	v54 =	vpop (erf);
	v8 =	vmul.f32 $1.442695020e+00, v8  }
0xa0: {  	v11 =	vmul.f32 $1.442695020e+00, v11;
	[tilespmem:s17+$0xFFFFFFC0] =	vst.add.f32.msk $0xffff, v51;
	v55 =	vpop (erf);
	(erf) = vpow2.f32 v52  }
0xa1: {  	[tilespmem:s17+$0xFFFFFFE0] =	vst.add.f32.msk $0xffff, v53;
	v56 =	vpop (erf);
	(erf) = vpow2.f32 v8;
	v8 =	vmul.f32 $1.442695020e+00, v9  }
0xa2: {  	[tilespmem:s17+$0xFFFFFF80] =	vst.add.f32.msk $0xffff, v54;
	(erf) = vpow2.f32 v12  }
0xa3: {  	[tilespmem:s17+$0xFFFFFF60] =	vst.add.f32.msk $0xffff, v55;
	(erf) = vpow2.f32 v11  }
0xa4: {  	[tilespmem:s17+$0xFFFFFFB0] =	vst.add.f32.msk $0xffff, v56;
	v57 =	vpop (erf);
	(erf) = vpow2.f32 v8  }
0xa5: {  	[tilespmem:s17+$0xFFFFFF20] =	vst.add.f32.msk $0xffff, v57;
	v8 =	vpop (erf)  }
0xa6: {  	v58 =	vpop (erf);
	[tilespmem:s17+$0xFFFFFEB0] =	vst.add.f32.msk $0xffff, v8  }
0xa7: {  	[tilespmem:s17+$0xFFFFFF10] =	vst.add.f32.msk $0xffff, v58;
	v8 =	vpop (erf)  }
0xa8: {  	[tilespmem:s17+$0xFFFFFF30] =	vst.add.f32.msk $0xffff, v8;
	v8 =	vpop (erf)  }
0xa9: {  	[tilespmem:s17+$0xFFFFFFF0] =	vst.add.f32.msk $0xffff, v8;
	v8 =	vpop (erf)  }
0xaa: {  	[tilespmem:s17+$0xFFFFFFA0] =	vst.add.f32.msk $0xffff, v8;
	v8 =	vpop (erf)  }
0xab: {  	[tilespmem:s17+$0xFFFFFF50] =	vst.add.f32.msk $0xffff, v8;
	v8 =	vpop (erf)  }
0xac: {  	[tilespmem:s17+$0xFFFFFED0] =	vst.add.f32.msk $0xffff, v8;
	v8 =	vpop (erf)  }
0xad: {  	[tilespmem:s17+$0xFFFFFEF0] =	vst.add.f32.msk $0xffff, v8;
	v8 =	vpop (erf)  }
0xae: {  	s28 =	sand.u32 $0x7FFFFFF0, s16;
	[tilespmem:s17+$0xFFFFFFD0] =	vst.add.f32.msk $0xffff, v8  }
0xaf: {  	v8 =	vld [tilespmem:s28+$0x400];
	_ =	sdelay $0x4  }
0xb0: {  	(erf) = vrcp.f32 v8;
	_ =	sdelay $0x5  }
0xb1: {  	s29 =	sand.u32 $0xF, s16  }
0xb2: {  	v59 =	vmov s29  }
0xb3: {  	vm0 =	veq.s32 v59, v1;
	vm1 =	vlt.f32 v8, $5.000000070e-02  }
0xb4: {  	vm0 =	vmand vm0, vm1;
	v8 =	vpop (erf)  }
0xb5: {  	v8 =	vnsel vm0, $0x5F0AC723, v8  }
0xb6: {  	v60 =	vsub.f32 v8, v2  }
0xb7: {  	v61 =	vsub.f32 v8, v3  }
0xb8: {  	v8 =	vsub.f32 v8, v4;
	v9 =	vmul.f32 v60, v60  }
0xb9: {  	v10 =	vmul.f32 v61, v61  }
0xba: {  	v8 =	vmul.f32 v8, v8;
	v9 =	vmul.f32 v9, v5  }
0xbb: {  	v10 =	vmul.f32 v10, v6  }
0xbc: {  	v8 =	vmul.f32 v8, v7;
	v9 =	vmul.f32 $1.442695020e+00, v9  }
0xbd: {  	v10 =	vmul.f32 $1.442695020e+00, v10  }
0xbe: {  	v8 =	vmul.f32 $1.442695020e+00, v8;
	(erf) = vpow2.f32 v9  }
0xbf: {  	(erf) = vpow2.f32 v10  }
0xc0: {  	(erf) = vpow2.f32 v8;
	_ =	sdelay $0x5  }
0xc1: {  	s15 =	sadd.s32 $0x1, s15  }
0xc2: {  	s30 =	sshll.u32 s16, $0x2;
	p0 =	sne.s32 s15, $0x28;
	v8 =	vpop (erf)  }
.Ltmp2:
0xc3: {  	s31 =	sand.u32 $0x70, s16;
	s17 =	sand.u32 $0x7FFFFE00, s30;
	v8 =	vsub.f32 $0.0e+00, v8;
	v62 =	vpop (erf);
	(pc) =	sbr.rel @p0 .LBB2_4-.Ltmp2, $4  }
0xc4: {  	s16 =	sor.u32 s31, s17;
	v9 =	vsub.f32 $0.0e+00, v62;
	v63 =	vpop (erf)  }
0xc5: {  	[tilespmem:s16+$0x2400] =	vst.add.f32.msk $0xffff, v8;
	v8 =	vsub.f32 $0.0e+00, v63  }
0xc6: {  	[tilespmem:s16+$0x2480] =	vst.add.f32.msk $0xffff, v9  }
0xc7: {  	[tilespmem:s16+$0x2500] =	vst.add.f32.msk $0xffff, v8  }
0xc8: {  	s14 =	sadd.s32 $0x1, s14  }
0xc9: {  	p0 =	sne.s32 s14, s7  }
.Ltmp3:
0xca: {  	_ = 	snop;
	(pc) =	sbr.rel @p0 .LBB2_1-.Ltmp3, $4  }
0xcb: {  	[hbm4b:s6+s3] =	stream.linear.scatter [tilespmem:s13], [sflag:$0x1], $0x8000, $0x38;
	[tilespmem:$0xA400] =	vst v63  }
0xcc: {  	_ =	swait.ge [sflag:s10], $0x8000  }
0xcd: {  	[sflag:s10] =	ssyncset.done $0x0  }
0xce: {  	[sflag:s10] =	ssyncadd.s32 $0xFFFF8000  }
0xcf: {  	_ =	sfence.sel $0x180000  }
0xd0: {  	[bflag:$0x0] =	sbarrier.arrive $0xFFFF  }
0xd1: {  	p0 =	sne.s32 s1, $0x0;
	_ =	strace $0x90000047  }
0xd2: {  	s0 =	sadd.s32 @!p0 $0x100000, s0;
	[bflag:$0x2] =	sbarrier.arrive $0xFFFF  }
0xd3: {  	[sflag:s0] =	ssyncadd.tile.s32 @!p0 $0x1;
	_ =	shalt  }
.Lfunc_end2:
_tile_overlayer_lowered:
.L_overlay_start_2:
0xd4: {  	(tag) =	ssettag $0x2  }
0xd5: {  	s0 =	rddreg [dreg:$0x0];
	s2 =	stileid.u32  }
0xd6: {  	s1 =	rddreg [dreg:$0x1];
	p0 =	sne.s32 s2, $0x0  }
0xd7: {  	s3 =	rddreg [dreg:$0x2];
	[bflag:$0x3] =	sbarrier.arrive $0xFFFF;
	s2 =	simm.s32 @!p0 $0x1C01  }
0xd8: {  	[timem:s3], [sflag:s2] =	dma.local @!p0 [hbm:s0], s1  }
0xd9: {  	s0 =	simm.s32 @!p0 $0x1  }
0xda: {  	_ =	swait.ge @!p0 [sflag:s0], s1  }
0xdb: {  	s1 =	ssub.s32 @!p0 $0x0, s1;
	[sflag:s0] =	ssyncset.done @!p0 $0x0  }
0xdc: {  	[sflag:s0] =	ssyncadd.s32 @!p0 s1  }
0xdd: {  	[bflag:$0x3] =	sbarrier.arrive $0xFFFF  }
0xde: {  	_ =	shalt  }

</sc_bundles>
